<compile_context>
chip_gen: v7x
topology: tpu7x:2x2x1
jax: 0.10.2.dev20260603
libtpu: 0.0.44.dev20260713+nightly
codegen_flags: <defaults>
</compile_context>

<pallas_src>
import functools
import math

import jax
import jax.numpy as jnp
from jax import lax
from jax.experimental import pallas as pl
from jax.experimental.pallas import tpu as pltpu
from jax.experimental.pallas import tpu_sc as plsc

N_PIX_LO = 128
OVERSAMP_XY = 4
N_PIX_HI = N_PIX_LO * OVERSAMP_XY
NV_LO = 64
OVERSAMP_V = 4
NV_HI = NV_LO * OVERSAMP_V
K_VEL = 8
PIXSCALE_LO = 0.05
PIXSCALE_HI = PIXSCALE_LO / OVERSAMP_XY
DV_LO = 10.0
DV_HI = DV_LO / OVERSAMP_V
VEL0_LO = -0.5 * (NV_LO - 1) * DV_LO
VEL0_HI = VEL0_LO - 0.5 * (DV_LO - DV_HI)
FOV_HALF_HI = 0.5 * (N_PIX_HI - 1) * PIXSCALE_HI
THETA_E = 1.0
R_D = 500.0
V_MAX = 200.0
R_T = 200.0

_NC = 2
_NS = 16
_NW = _NC * _NS
_ROWS_W = N_PIX_HI // _NW
_LROWS_W = _ROWS_W // OVERSAMP_XY
_GROUPS = _ROWS_W * (N_PIX_HI // 16)
_HSIZE = NV_LO * _LROWS_W * N_PIX_LO


def _atan_pos(z):
    t_hi = 2.414213562373095
    t_lo = 0.4142135623730950
    hi = z > t_hi
    mid = z > t_lo
    x = jnp.where(hi, -1.0 / z, jnp.where(mid, (z - 1.0) / (z + 1.0), z))
    w = jnp.where(hi, math.pi / 2.0, jnp.where(mid, math.pi / 4.0, 0.0))
    s = x * x
    p = (((8.05374449538e-2 * s - 1.38776856032e-1) * s + 1.99777106478e-1) * s
         - 3.33329491539e-1) * s * x + x
    return w + p


_FROWS = 256


def _fields_body(params_ref, v_ref, a_ref):
    i = pl.program_id(0)
    f32 = jnp.float32

    cos_i = params_ref[0]
    sin_i = params_ref[1]
    cos_pa = params_ref[2]
    sin_pa = params_ref[3]
    inv_arcsec_per_pc = params_ref[4]
    x0 = params_ref[5]
    y0 = params_ref[6]
    vshift = params_ref[7]
    vlo = params_ref[8]
    vhi = params_ref[9]
    inv_cos_i = params_ref[10]

    m = lax.broadcasted_iota(jnp.int32, (_FROWS, N_PIX_HI), 1)
    col = (((m & 127) << 2) + (m >> 7)).astype(f32)
    row = (lax.broadcasted_iota(jnp.int32, (_FROWS, N_PIX_HI), 0)
           + i * _FROWS).astype(f32)
    thx = -FOV_HALF_HI + PIXSCALE_HI * col
    thy = -FOV_HALF_HI + PIXSCALE_HI * row

    r = jnp.sqrt(thx * thx + thy * thy) + 1e-12
    bx = thx - THETA_E * thx / r
    by = thy - THETA_E * thy / r
    X = (bx - x0) * inv_arcsec_per_pc
    Y = (by - y0) * inv_arcsec_per_pc
    x_gal = cos_pa * X + sin_pa * Y
    y_gal = (-sin_pa * X + cos_pa * Y) * inv_cos_i
    R = jnp.sqrt(x_gal * x_gal + y_gal * y_gal)
    I_map = jnp.exp(-R / R_D)
    v_circ = V_MAX * (2.0 / math.pi) * _atan_pos(R * (1.0 / R_T))
    cos_theta = x_gal / (R + 1e-12)
    v_los = v_circ * sin_i * cos_theta + vshift
    vb = (v_los - VEL0_HI) * (1.0 / DV_HI)
    v_ref[...] = jnp.minimum(jnp.maximum(vb, vlo), vhi)
    a_ref[...] = I_map * (1.0 / (K_VEL * OVERSAMP_V * OVERSAMP_XY * OVERSAMP_XY))


def _fields(params):
    f32 = jnp.float32
    return pl.pallas_call(
        _fields_body,
        grid=(N_PIX_HI // _FROWS,),
        in_specs=[pl.BlockSpec(memory_space=pltpu.SMEM)],
        out_specs=[
            pl.BlockSpec((_FROWS, N_PIX_HI), lambda i: (i, 0)),
            pl.BlockSpec((_FROWS, N_PIX_HI), lambda i: (i, 0)),
        ],
        out_shape=[
            jax.ShapeDtypeStruct((N_PIX_HI, N_PIX_HI), f32),
            jax.ShapeDtypeStruct((N_PIX_HI, N_PIX_HI), f32),
        ],
    )(params)


def _sc_bin_body(v_hbm, a_hbm, dv_hbm, out_hbm, v_v, a_v, dv_v, hist, sem):
    f32 = jnp.float32
    i32 = jnp.int32
    wid = lax.axis_index("s") * _NC + lax.axis_index("c")
    row0 = wid * _ROWS_W

    cp_v = pltpu.async_copy(v_hbm.at[pl.ds(row0, _ROWS_W), :], v_v, sem)
    cp_a = pltpu.async_copy(a_hbm.at[pl.ds(row0, _ROWS_W), :], a_v, sem)
    pltpu.sync_copy(dv_hbm, dv_v)

    z16 = jnp.zeros((16,), f32)

    @plsc.parallel_loop(0, _HSIZE // 16, 1, unroll=4)
    def zero(i):
        hist[pl.ds(pl.multiple_of(i << 4, 16), 16)] = z16

    cp_v.wait()
    cp_a.wait()

    lane = lax.broadcasted_iota(i32, (16,), 0)
    aks = [dv_v[k, :] for k in range(K_VEL)]

    @plsc.parallel_loop(0, _GROUPS, 1, unroll=2)
    def group(g):
        hi_row = g >> 5
        x0 = pl.multiple_of((g & 31) << 4, 16)
        base = ((hi_row >> 2) << 7) + ((g & 7) << 4) + lane
        v = v_v[hi_row, pl.ds(x0, 16)]
        a = a_v[hi_row, pl.ds(x0, 16)]
        for k in range(K_VEL):
            c = v + aks[k]
            iv0 = c.astype(i32)
            fv = c - iv0.astype(f32)
            idx0 = ((iv0 & ~3) << 7) + base
            idx1 = (((iv0 + 1) & ~3) << 7) + base
            w1 = a * fv
            plsc.addupdate_scatter(hist, [idx0], a - w1)
            plsc.addupdate_scatter(hist, [idx1], w1)

    pltpu.sync_copy(hist, out_hbm.at[pl.ds(wid * _HSIZE, _HSIZE)])


@functools.partial(
    pl.kernel,
    mesh=plsc.VectorSubcoreMesh(core_axis_name="c", subcore_axis_name="s"),
    compiler_params=pltpu.CompilerParams(needs_layout_passes=False),
    out_type=jax.ShapeDtypeStruct((_NW * _HSIZE,), jnp.float32),
    scratch_types=[
        pltpu.VMEM((_ROWS_W, N_PIX_HI), jnp.float32),
        pltpu.VMEM((_ROWS_W, N_PIX_HI), jnp.float32),
        pltpu.VMEM((K_VEL, 16), jnp.float32),
        pltpu.VMEM((_HSIZE,), jnp.float32),
        pltpu.SemaphoreType.DMA,
    ],
)
def _sc_bin(v_hbm, a_hbm, dv_hbm, out_hbm, v_v, a_v, dv_v, hist, sem):
    _sc_bin_body(v_hbm, a_hbm, dv_hbm, out_hbm, v_v, a_v, dv_v, hist, sem)


def kernel(inclination, sky_rot, line_broadening, velocity_shift, x0, y0, distance_pc):
    f32 = jnp.float32
    cos_i = jnp.cos(inclination)
    sin_i = jnp.sin(inclination)
    pa = sky_rot + math.pi / 2.0
    cos_pa = jnp.cos(pa)
    sin_pa = jnp.sin(pa)
    inv_arcsec_per_pc = distance_pc * (1.0 / 206265.0)
    inv_cos_i = 1.0 / (cos_i + 1e-12)

    sigma = jnp.abs(line_broadening) + 1e-12
    p_mid = (jnp.arange(K_VEL, dtype=f32) + 0.5) / K_VEL
    unit = math.sqrt(2.0) * jax.scipy.special.erfinv(2.0 * p_mid - 1.0)
    dv_off = sigma * unit

    amax = jnp.max(jnp.abs(dv_off)) * (1.0 / DV_HI)
    vlo = amax
    vhi = (NV_HI - 1) - 1e-3 - amax
    params = jnp.concatenate([
        jnp.stack([cos_i, sin_i, cos_pa, sin_pa, inv_arcsec_per_pc,
                   x0, y0, velocity_shift, vlo, vhi, inv_cos_i]).astype(f32),
        dv_off.astype(f32),
    ])

    v_los, amp = _fields(params)
    dv16 = jnp.broadcast_to((dv_off * (1.0 / DV_HI)).astype(f32).reshape(K_VEL, 1),
                            (K_VEL, 16))
    flat = _sc_bin(v_los, amp, dv16)
    return (flat.reshape(_NW, NV_LO, _LROWS_W, N_PIX_LO)
            .transpose(1, 0, 2, 3)
            .reshape(NV_LO, N_PIX_LO, N_PIX_LO))

# --- scband reference (transcript-rebuilt; emitter-appended) ---
"""Pipeline reference for scband-analytic-lens-68289980006590 (READ-ONLY COPY).

The authoritative reference and input builder live on the scoring server;
editing this copy changes nothing except your own understanding.
"""

import jax, jax.numpy as jnp
import numpy as np
import math

# Static config mirroring AnalyticLens.__init__ (N_pix_x=128, oversamp_xy=4, K_vel=8,
# oversamp_v=4, pixel_scale=0.05"). Velocity grid from create_velocity_grid_stable is
# replaced by an explicit linear grid; lens/intensity/velocity submodules replaced by
# analytic closed forms (SIS lens, exponential disk, arctan rotation curve).
N_PIX_LO = 128
OVERSAMP_XY = 4
N_PIX_HI = N_PIX_LO * OVERSAMP_XY  # 512
NV_LO = 64
OVERSAMP_V = 4
NV_HI = NV_LO * OVERSAMP_V  # 256
K_VEL = 8
PIXSCALE_LO = 0.05
PIXSCALE_HI = PIXSCALE_LO / OVERSAMP_XY
DV_LO = 10.0
DV_HI = DV_LO / OVERSAMP_V
VEL0_LO = -0.5 * (NV_LO - 1) * DV_LO
VEL0_HI = VEL0_LO - 0.5 * (DV_LO - DV_HI)
FOV_HALF_HI = 0.5 * (N_PIX_HI - 1) * PIXSCALE_HI
THETA_E = 1.0
R_D = 500.0
V_MAX = 200.0
R_T = 200.0
HW = N_PIX_HI * N_PIX_HI


def gaussian_quantile_offsets(sigma, K):
    p_mid = (jnp.arange(K, dtype=jnp.float32) + 0.5) / K
    unit = math.sqrt(2.0) * jax.scipy.special.erfinv(2.0 * p_mid - 1.0)
    return (sigma * unit).reshape(K, 1, 1)


def setup_inputs(seed: int = 0) -> dict:
    key = jax.random.key(seed)
    ks = jax.random.split(key, 7)
    u = lambda k: jax.random.uniform(k, (), dtype=jnp.float32)
    return {
        "inclination": 0.3 + 1.0 * u(ks[0]),          # radians
        "sky_rot": 2.0 * math.pi * u(ks[1]),
        "line_broadening": 10.0 + 10.0 * u(ks[2]),    # km/s
        "velocity_shift": -5.0 + 10.0 * u(ks[3]),     # km/s
        "x0": -0.05 + 0.1 * u(ks[4]),                 # arcsec
        "y0": -0.05 + 0.1 * u(ks[5]),                 # arcsec
        "distance_pc": 1.0e7 + 1.0e7 * u(ks[6]),      # pc
    }


def reference(inclination, sky_rot, line_broadening, velocity_shift, x0, y0, distance_pc):
    dtype = jnp.float32
    xs = -FOV_HALF_HI + PIXSCALE_HI * jnp.arange(N_PIX_HI, dtype=dtype)
    thx = jnp.broadcast_to(xs.reshape(1, -1), (N_PIX_HI, N_PIX_HI))
    thy = jnp.broadcast_to(xs.reshape(-1, 1), (N_PIX_HI, N_PIX_HI))
    # lens.raytrace: SIS deflection beta = theta - theta_E * theta/|theta|
    r = jnp.sqrt(thx * thx + thy * thy) + 1e-12
    bx = thx - THETA_E * thx / r
    by = thy - THETA_E * thy / r
    # _beta_to_intrinsic
    cos_i = jnp.cos(inclination)
    pa = sky_rot + math.pi / 2.0
    arcsec_per_pc = 206265.0 / distance_pc
    X = (bx - x0) / arcsec_per_pc
    Y = (by - y0) / arcsec_per_pc
    cos_pa = jnp.cos(pa)
    sin_pa = jnp.sin(pa)
    x_gal = cos_pa * X + sin_pa * Y
    y_gal = (-sin_pa * X + cos_pa * Y) / (cos_i + 1e-12)
    R = jnp.hypot(x_gal, y_gal)
    # analytic intensity / velocity fields
    I_map = jnp.exp(-R / R_D)
    v_circ = V_MAX * (2.0 / math.pi) * jnp.arctan(R / R_T)
    cos_theta = x_gal / (R + 1e-12)
    v_los = v_circ * jnp.sin(inclination) * cos_theta + velocity_shift
    # _bin_quantiles_along_v_ : deterministic Gaussian-quantile broadening + scatter-add binning
    dv_off = gaussian_quantile_offsets(jnp.abs(line_broadening) + 1e-12, K_VEL)
    v_sub = v_los.reshape(1, N_PIX_HI, N_PIX_HI) + dv_off
    iv_f = (v_sub - VEL0_HI) / DV_HI
    iv0 = jnp.clip(jnp.floor(iv_f).astype(jnp.int32), 0, NV_HI - 1)
    iv1 = jnp.clip(iv0 + 1, 0, NV_HI - 1)
    fv = jnp.clip(iv_f - iv0.astype(dtype), 0.0, 1.0)
    fsub = (I_map / float(K_VEL)).reshape(1, -1)
    iv0 = iv0.reshape(K_VEL, -1)
    iv1 = iv1.reshape(K_VEL, -1)
    w0 = (1.0 - fv).reshape(K_VEL, -1)
    w1 = fv.reshape(K_VEL, -1)
    yy, xx = jnp.meshgrid(jnp.arange(N_PIX_HI, dtype=jnp.int32), jnp.arange(N_PIX_HI, dtype=jnp.int32), indexing="ij")
    baseY = jnp.broadcast_to(yy.reshape(1, -1), (K_VEL, HW))
    baseX = jnp.broadcast_to(xx.reshape(1, -1), (K_VEL, HW))
    idx0 = iv0 * HW + baseY * N_PIX_HI + baseX
    idx1 = iv1 * HW + baseY * N_PIX_HI + baseX
    flat = jnp.zeros(NV_HI * HW, dtype=dtype)
    flat = flat.at[idx0.reshape(-1)].add((fsub * w0).reshape(-1))
    flat = flat.at[idx1.reshape(-1)].add((fsub * w1).reshape(-1))
    cube_hi = flat.reshape(NV_LO, OVERSAMP_V, N_PIX_LO, OVERSAMP_XY, N_PIX_LO, OVERSAMP_XY)
    cube_lo = cube_hi.mean(axis=(1, 3, 5))
    return cube_lo

if __name__ == "__main__":
    import jax
    _d = setup_inputs()
    print(jax.jit(kernel)(*tuple(_d.values())))

</pallas_src>

<mosaic_0001>
#map = affine_map<(d0, d1) -> (0, 0)>
#map1 = affine_map<(d0, d1) -> (0)>
module attributes {stable_mosaic.version = 14 : i64} {
  func.func @_sc_bin(%arg0: i32, %arg1: i32, %arg2: memref<512x512xf32, #tpu.memory_space<hbm>>, %arg3: memref<512x512xf32, #tpu.memory_space<hbm>>, %arg4: memref<8x16xf32, #tpu.memory_space<hbm>>, %arg5: memref<1048576xf32, #tpu.memory_space<hbm>>, %arg6: memref<16x512xf32, #tpu.memory_space<vmem>>, %arg7: memref<16x512xf32, #tpu.memory_space<vmem>>, %arg8: memref<8x16xf32, #tpu.memory_space<vmem>>, %arg9: memref<32768xf32, #tpu.memory_space<vmem>>, %arg10: memref<!tpu.dma_semaphore, #tpu.memory_space<semaphore_mem>>) attributes {dimension_semantics = [#tpu.dimension_semantics<core_parallel>, #tpu.dimension_semantics<subcore_parallel>], iteration_bounds = array<i64: 2, 16>, scalar_prefetch = 0 : i64, scratch_operands = 5 : i64, tpu.core_type = #tpu.core_type<sc_vector_subcore>, window_params = [{transform_indices = #map}, {transform_indices = #map}, {transform_indices = #map}, {transform_indices = #map1}]} {
    %mul3A = arith.constant 2 : i32
    %mul3A_0 = arith.muli %arg1, %mul3A : i32
    %add3A = arith.addi %mul3A_0, %arg0 : i32
    %mul3A_1 = arith.constant 16 : i32
    %mul3A_2 = arith.muli %add3A, %mul3A_1 : i32
    %dma_start3A = arith.constant 0 : i32
    %dma_start3A_3 = tpu.memref_slice %arg2[%mul3A_2, %dma_start3A] : memref<512x512xf32, #tpu.memory_space<hbm>> -> memref<16x512xf32, #tpu.memory_space<hbm>>
    %dma_start3A_4 = arith.constant 0 : i32
    %dma_start3A_5 = tpu.memref_slice %arg2[%mul3A_2, %dma_start3A_4] : memref<512x512xf32, #tpu.memory_space<hbm>> -> memref<16x512xf32, #tpu.memory_space<hbm>>
    tpu.enqueue_dma source(%dma_start3A_5 : memref<16x512xf32, #tpu.memory_space<hbm>>) target(%arg6 : memref<16x512xf32, #tpu.memory_space<vmem>>) target_semaphore(%arg10 : memref<!tpu.dma_semaphore, #tpu.memory_space<semaphore_mem>>)
    %dma_start3A_6 = arith.constant 0 : i32
    %dma_start3A_7 = tpu.memref_slice %arg3[%mul3A_2, %dma_start3A_6] : memref<512x512xf32, #tpu.memory_space<hbm>> -> memref<16x512xf32, #tpu.memory_space<hbm>>
    %dma_start3A_8 = arith.constant 0 : i32
    %dma_start3A_9 = tpu.memref_slice %arg3[%mul3A_2, %dma_start3A_8] : memref<512x512xf32, #tpu.memory_space<hbm>> -> memref<16x512xf32, #tpu.memory_space<hbm>>
    tpu.enqueue_dma source(%dma_start3A_9 : memref<16x512xf32, #tpu.memory_space<hbm>>) target(%arg7 : memref<16x512xf32, #tpu.memory_space<vmem>>) target_semaphore(%arg10 : memref<!tpu.dma_semaphore, #tpu.memory_space<semaphore_mem>>)
    "tpu.region"() ({
      %run_scoped3A = tpu.sem_alloc : memref<!tpu.dma_semaphore, #tpu.memory_space<semaphore_mem>>
      tpu.enqueue_dma source(%arg4 : memref<8x16xf32, #tpu.memory_space<hbm>>) target(%arg8 : memref<8x16xf32, #tpu.memory_space<vmem>>) target_semaphore(%run_scoped3A : memref<!tpu.dma_semaphore, #tpu.memory_space<semaphore_mem>>)
      tpu.wait_dma2 semaphore(%run_scoped3A : memref<!tpu.dma_semaphore, #tpu.memory_space<semaphore_mem>>) src(%arg4 : memref<8x16xf32, #tpu.memory_space<hbm>>) dst(%arg8 : memref<8x16xf32, #tpu.memory_space<vmem>>)
      tpu.yield
    }) : () -> ()
    %broadcast_in_dim3A = arith.constant 0.000000e+00 : f32
    %broadcast_in_dim3A_10 = vector.broadcast %broadcast_in_dim3A : f32 to vector<16xf32>
    %parallel_loop3A = arith.constant 0 : i32
    %parallel_loop3A_11 = arith.constant 2048 : i32
    %parallel_loop3A_12 = arith.constant 1 : i32
    scf.for %parallel_loop3A_56 = %parallel_loop3A to %parallel_loop3A_11 step %parallel_loop3A_12  : i32 {
      %parallel_loop3A_57 = arith.constant 4 : i32
      %parallel_loop3A_58 = arith.shli %parallel_loop3A_56, %parallel_loop3A_57 : i32
      %parallel_loop3A_59 = tpu.assume_multiple %parallel_loop3A_58, 16 : i32
      %parallel_loop3A_60 = arith.index_cast %parallel_loop3A_59 : i32 to index
      %parallel_loop3A_61 = tpu.vector_load %arg9[%parallel_loop3A_60] {strides = array<i32>} : memref<32768xf32, #tpu.memory_space<vmem>>, vector<16xf32>,
      tpu.vector_store %arg9[%parallel_loop3A_60], %broadcast_in_dim3A_10 {strides = array<i32>} : memref<32768xf32, #tpu.memory_space<vmem>>, vector<16xf32>,
    } {sc.loop_unroll_factor = 4 : i64, sc.parallel_access}
    %dma_wait3A = arith.constant 0 : i32
    %dma_wait3A_13 = tpu.memref_slice %arg2[%mul3A_2, %dma_wait3A] : memref<512x512xf32, #tpu.memory_space<hbm>> -> memref<16x512xf32, #tpu.memory_space<hbm>>
    %dma_wait3A_14 = arith.constant 0 : i32
    %dma_wait3A_15 = tpu.memref_slice %arg2[%mul3A_2, %dma_wait3A_14] : memref<512x512xf32, #tpu.memory_space<hbm>> -> memref<16x512xf32, #tpu.memory_space<hbm>>
    tpu.wait_dma2 semaphore(%arg10 : memref<!tpu.dma_semaphore, #tpu.memory_space<semaphore_mem>>) src(%dma_wait3A_15 : memref<16x512xf32, #tpu.memory_space<hbm>>) dst(%arg6 : memref<16x512xf32, #tpu.memory_space<vmem>>)
    %dma_wait3A_16 = arith.constant 0 : i32
    %dma_wait3A_17 = tpu.memref_slice %arg3[%mul3A_2, %dma_wait3A_16] : memref<512x512xf32, #tpu.memory_space<hbm>> -> memref<16x512xf32, #tpu.memory_space<hbm>>
    %dma_wait3A_18 = arith.constant 0 : i32
    %dma_wait3A_19 = tpu.memref_slice %arg3[%mul3A_2, %dma_wait3A_18] : memref<512x512xf32, #tpu.memory_space<hbm>> -> memref<16x512xf32, #tpu.memory_space<hbm>>
    tpu.wait_dma2 semaphore(%arg10 : memref<!tpu.dma_semaphore, #tpu.memory_space<semaphore_mem>>) src(%dma_wait3A_19 : memref<16x512xf32, #tpu.memory_space<hbm>>) dst(%arg7 : memref<16x512xf32, #tpu.memory_space<vmem>>)
    %iota3A = tpu.iota {dimensions = array<i32: 0>} : vector<16xi32>
    %get3A = arith.constant 0 : i32
    %get3A_20 = arith.index_cast %get3A : i32 to index
    %get3A_21 = arith.constant 0 : index
    %get3A_22 = tpu.vector_load %arg8[%get3A_20, %get3A_21] {strides = array<i32>} : memref<8x16xf32, #tpu.memory_space<vmem>>, vector<16xf32>,
    %get3A_23 = arith.constant 1 : i32
    %get3A_24 = arith.index_cast %get3A_23 : i32 to index
    %get3A_25 = arith.constant 0 : index
    %get3A_26 = tpu.vector_load %arg8[%get3A_24, %get3A_25] {strides = array<i32>} : memref<8x16xf32, #tpu.memory_space<vmem>>, vector<16xf32>,
    %get3A_27 = arith.constant 2 : i32
    %get3A_28 = arith.index_cast %get3A_27 : i32 to index
    %get3A_29 = arith.constant 0 : index
    %get3A_30 = tpu.vector_load %arg8[%get3A_28, %get3A_29] {strides = array<i32>} : memref<8x16xf32, #tpu.memory_space<vmem>>, vector<16xf32>,
    %get3A_31 = arith.constant 3 : i32
    %get3A_32 = arith.index_cast %get3A_31 : i32 to index
    %get3A_33 = arith.constant 0 : index
    %get3A_34 = tpu.vector_load %arg8[%get3A_32, %get3A_33] {strides = array<i32>} : memref<8x16xf32, #tpu.memory_space<vmem>>, vector<16xf32>,
    %get3A_35 = arith.constant 4 : i32
    %get3A_36 = arith.index_cast %get3A_35 : i32 to index
    %get3A_37 = arith.constant 0 : index
    %get3A_38 = tpu.vector_load %arg8[%get3A_36, %get3A_37] {strides = array<i32>} : memref<8x16xf32, #tpu.memory_space<vmem>>, vector<16xf32>,
    %get3A_39 = arith.constant 5 : i32
    %get3A_40 = arith.index_cast %get3A_39 : i32 to index
    %get3A_41 = arith.constant 0 : index
    %get3A_42 = tpu.vector_load %arg8[%get3A_40, %get3A_41] {strides = array<i32>} : memref<8x16xf32, #tpu.memory_space<vmem>>, vector<16xf32>,
    %get3A_43 = arith.constant 6 : i32
    %get3A_44 = arith.index_cast %get3A_43 : i32 to index
    %get3A_45 = arith.constant 0 : index
    %get3A_46 = tpu.vector_load %arg8[%get3A_44, %get3A_45] {strides = array<i32>} : memref<8x16xf32, #tpu.memory_space<vmem>>, vector<16xf32>,
    %get3A_47 = arith.constant 7 : i32
    %get3A_48 = arith.index_cast %get3A_47 : i32 to index
    %get3A_49 = arith.constant 0 : index
    %get3A_50 = tpu.vector_load %arg8[%get3A_48, %get3A_49] {strides = array<i32>} : memref<8x16xf32, #tpu.memory_space<vmem>>, vector<16xf32>,
    %parallel_loop3A_51 = arith.constant 0 : i32
    %parallel_loop3A_52 = arith.constant 512 : i32
    %parallel_loop3A_53 = arith.constant 1 : i32
    scf.for %parallel_loop3A_56 = %parallel_loop3A_51 to %parallel_loop3A_52 step %parallel_loop3A_53  : i32 {
      %parallel_loop3A_57 = arith.constant 5 : i32
      %parallel_loop3A_58 = arith.shrsi %parallel_loop3A_56, %parallel_loop3A_57 : i32
      %parallel_loop3A_59 = arith.constant 31 : i32
      %parallel_loop3A_60 = arith.andi %parallel_loop3A_56, %parallel_loop3A_59 : i32
      %parallel_loop3A_61 = arith.constant 4 : i32
      %parallel_loop3A_62 = arith.shli %parallel_loop3A_60, %parallel_loop3A_61 : i32
      %parallel_loop3A_63 = tpu.assume_multiple %parallel_loop3A_62, 16 : i32
      %parallel_loop3A_64 = arith.constant 2 : i32
      %parallel_loop3A_65 = arith.shrsi %parallel_loop3A_58, %parallel_loop3A_64 : i32
      %parallel_loop3A_66 = arith.constant 7 : i32
      %parallel_loop3A_67 = arith.shli %parallel_loop3A_65, %parallel_loop3A_66 : i32
      %parallel_loop3A_68 = arith.constant 7 : i32
      %parallel_loop3A_69 = arith.andi %parallel_loop3A_56, %parallel_loop3A_68 : i32
      %parallel_loop3A_70 = arith.constant 4 : i32
      %parallel_loop3A_71 = arith.shli %parallel_loop3A_69, %parallel_loop3A_70 : i32
      %parallel_loop3A_72 = arith.addi %parallel_loop3A_67, %parallel_loop3A_71 : i32
      %parallel_loop3A_73 = vector.broadcast %parallel_loop3A_72 : i32 to vector<16xi32>
      %parallel_loop3A_74 = arith.addi %parallel_loop3A_73, %iota3A : vector<16xi32>
      %parallel_loop3A_75 = arith.index_cast %parallel_loop3A_58 : i32 to index
      %parallel_loop3A_76 = arith.index_cast %parallel_loop3A_63 : i32 to index
      %parallel_loop3A_77 = tpu.vector_load %arg6[%parallel_loop3A_75, %parallel_loop3A_76] {strides = array<i32>} : memref<16x512xf32, #tpu.memory_space<vmem>>, vector<16xf32>,
      %parallel_loop3A_78 = arith.index_cast %parallel_loop3A_58 : i32 to index
      %parallel_loop3A_79 = arith.index_cast %parallel_loop3A_63 : i32 to index
      %parallel_loop3A_80 = tpu.vector_load %arg7[%parallel_loop3A_78, %parallel_loop3A_79] {strides = array<i32>} : memref<16x512xf32, #tpu.memory_space<vmem>>, vector<16xf32>,
      %parallel_loop3A_81 = arith.addf %parallel_loop3A_77, %get3A_22 : vector<16xf32>
      %parallel_loop3A_82 = arith.fptosi %parallel_loop3A_81 : vector<16xf32> to vector<16xi32>
      %parallel_loop3A_83 = arith.sitofp %parallel_loop3A_82 : vector<16xi32> to vector<16xf32>
      %parallel_loop3A_84 = arith.subf %parallel_loop3A_81, %parallel_loop3A_83 : vector<16xf32>
      %parallel_loop3A_85 = arith.constant -4 : i32
      %parallel_loop3A_86 = vector.broadcast %parallel_loop3A_85 : i32 to vector<16xi32>
      %parallel_loop3A_87 = arith.andi %parallel_loop3A_82, %parallel_loop3A_86 : vector<16xi32>
      %parallel_loop3A_88 = arith.constant 7 : i32
      %parallel_loop3A_89 = vector.broadcast %parallel_loop3A_88 : i32 to vector<16xi32>
      %parallel_loop3A_90 = arith.shli %parallel_loop3A_87, %parallel_loop3A_89 : vector<16xi32>
      %parallel_loop3A_91 = arith.addi %parallel_loop3A_90, %parallel_loop3A_74 : vector<16xi32>
      %parallel_loop3A_92 = arith.constant 1 : i32
      %parallel_loop3A_93 = vector.broadcast %parallel_loop3A_92 : i32 to vector<16xi32>
      %parallel_loop3A_94 = arith.addi %parallel_loop3A_82, %parallel_loop3A_93 : vector<16xi32>
      %parallel_loop3A_95 = arith.constant -4 : i32
      %parallel_loop3A_96 = vector.broadcast %parallel_loop3A_95 : i32 to vector<16xi32>
      %parallel_loop3A_97 = arith.andi %parallel_loop3A_94, %parallel_loop3A_96 : vector<16xi32>
      %parallel_loop3A_98 = arith.constant 7 : i32
      %parallel_loop3A_99 = vector.broadcast %parallel_loop3A_98 : i32 to vector<16xi32>
      %parallel_loop3A_100 = arith.shli %parallel_loop3A_97, %parallel_loop3A_99 : vector<16xi32>
      %parallel_loop3A_101 = arith.addi %parallel_loop3A_100, %parallel_loop3A_74 : vector<16xi32>
      %parallel_loop3A_102 = arith.mulf %parallel_loop3A_80, %parallel_loop3A_84 : vector<16xf32>
      %parallel_loop3A_103 = arith.subf %parallel_loop3A_80, %parallel_loop3A_102 : vector<16xf32>
      tpu.vector_store_idx %arg9[%parallel_loop3A_91], %parallel_loop3A_103 {add = true} : memref<32768xf32, #tpu.memory_space<vmem>>[vector<16xi32>], vector<16xf32>,
      tpu.vector_store_idx %arg9[%parallel_loop3A_101], %parallel_loop3A_102 {add = true} : memref<32768xf32, #tpu.memory_space<vmem>>[vector<16xi32>], vector<16xf32>,
      %parallel_loop3A_104 = arith.addf %parallel_loop3A_77, %get3A_26 : vector<16xf32>
      %parallel_loop3A_105 = arith.fptosi %parallel_loop3A_104 : vector<16xf32> to vector<16xi32>
      %parallel_loop3A_106 = arith.sitofp %parallel_loop3A_105 : vector<16xi32> to vector<16xf32>
      %parallel_loop3A_107 = arith.subf %parallel_loop3A_104, %parallel_loop3A_106 : vector<16xf32>
      %parallel_loop3A_108 = arith.constant -4 : i32
      %parallel_loop3A_109 = vector.broadcast %parallel_loop3A_108 : i32 to vector<16xi32>
      %parallel_loop3A_110 = arith.andi %parallel_loop3A_105, %parallel_loop3A_109 : vector<16xi32>
      %parallel_loop3A_111 = arith.constant 7 : i32
      %parallel_loop3A_112 = vector.broadcast %parallel_loop3A_111 : i32 to vector<16xi32>
      %parallel_loop3A_113 = arith.shli %parallel_loop3A_110, %parallel_loop3A_112 : vector<16xi32>
      %parallel_loop3A_114 = arith.addi %parallel_loop3A_113, %parallel_loop3A_74 : vector<16xi32>
      %parallel_loop3A_115 = arith.constant 1 : i32
      %parallel_loop3A_116 = vector.broadcast %parallel_loop3A_115 : i32 to vector<16xi32>
      %parallel_loop3A_117 = arith.addi %parallel_loop3A_105, %parallel_loop3A_116 : vector<16xi32>
      %parallel_loop3A_118 = arith.constant -4 : i32
      %parallel_loop3A_119 = vector.broadcast %parallel_loop3A_118 : i32 to vector<16xi32>
      %parallel_loop3A_120 = arith.andi %parallel_loop3A_117, %parallel_loop3A_119 : vector<16xi32>
      %parallel_loop3A_121 = arith.constant 7 : i32
      %parallel_loop3A_122 = vector.broadcast %parallel_loop3A_121 : i32 to vector<16xi32>
      %parallel_loop3A_123 = arith.shli %parallel_loop3A_120, %parallel_loop3A_122 : vector<16xi32>
      %parallel_loop3A_124 = arith.addi %parallel_loop3A_123, %parallel_loop3A_74 : vector<16xi32>
      %parallel_loop3A_125 = arith.mulf %parallel_loop3A_80, %parallel_loop3A_107 : vector<16xf32>
      %parallel_loop3A_126 = arith.subf %parallel_loop3A_80, %parallel_loop3A_125 : vector<16xf32>
      tpu.vector_store_idx %arg9[%parallel_loop3A_114], %parallel_loop3A_126 {add = true} : memref<32768xf32, #tpu.memory_space<vmem>>[vector<16xi32>], vector<16xf32>,
      tpu.vector_store_idx %arg9[%parallel_loop3A_124], %parallel_loop3A_125 {add = true} : memref<32768xf32, #tpu.memory_space<vmem>>[vector<16xi32>], vector<16xf32>,
      %parallel_loop3A_127 = arith.addf %parallel_loop3A_77, %get3A_30 : vector<16xf32>
      %parallel_loop3A_128 = arith.fptosi %parallel_loop3A_127 : vector<16xf32> to vector<16xi32>
      %parallel_loop3A_129 = arith.sitofp %parallel_loop3A_128 : vector<16xi32> to vector<16xf32>
      %parallel_loop3A_130 = arith.subf %parallel_loop3A_127, %parallel_loop3A_129 : vector<16xf32>
      %parallel_loop3A_131 = arith.constant -4 : i32
      %parallel_loop3A_132 = vector.broadcast %parallel_loop3A_131 : i32 to vector<16xi32>
      %parallel_loop3A_133 = arith.andi %parallel_loop3A_128, %parallel_loop3A_132 : vector<16xi32>
      %parallel_loop3A_134 = arith.constant 7 : i32
      %parallel_loop3A_135 = vector.broadcast %parallel_loop3A_134 : i32 to vector<16xi32>
      %parallel_loop3A_136 = arith.shli %parallel_loop3A_133, %parallel_loop3A_135 : vector<16xi32>
      %parallel_loop3A_137 = arith.addi %parallel_loop3A_136, %parallel_loop3A_74 : vector<16xi32>
      %parallel_loop3A_138 = arith.constant 1 : i32
      %parallel_loop3A_139 = vector.broadcast %parallel_loop3A_138 : i32 to vector<16xi32>
      %parallel_loop3A_140 = arith.addi %parallel_loop3A_128, %parallel_loop3A_139 : vector<16xi32>
      %parallel_loop3A_141 = arith.constant -4 : i32
      %parallel_loop3A_142 = vector.broadcast %parallel_loop3A_141 : i32 to vector<16xi32>
      %parallel_loop3A_143 = arith.andi %parallel_loop3A_140, %parallel_loop3A_142 : vector<16xi32>
      %parallel_loop3A_144 = arith.constant 7 : i32
      %parallel_loop3A_145 = vector.broadcast %parallel_loop3A_144 : i32 to vector<16xi32>
      %parallel_loop3A_146 = arith.shli %parallel_loop3A_143, %parallel_loop3A_145 : vector<16xi32>
      %parallel_loop3A_147 = arith.addi %parallel_loop3A_146, %parallel_loop3A_74 : vector<16xi32>
      %parallel_loop3A_148 = arith.mulf %parallel_loop3A_80, %parallel_loop3A_130 : vector<16xf32>
      %parallel_loop3A_149 = arith.subf %parallel_loop3A_80, %parallel_loop3A_148 : vector<16xf32>
      tpu.vector_store_idx %arg9[%parallel_loop3A_137], %parallel_loop3A_149 {add = true} : memref<32768xf32, #tpu.memory_space<vmem>>[vector<16xi32>], vector<16xf32>,
      tpu.vector_store_idx %arg9[%parallel_loop3A_147], %parallel_loop3A_148 {add = true} : memref<32768xf32, #tpu.memory_space<vmem>>[vector<16xi32>], vector<16xf32>,
      %parallel_loop3A_150 = arith.addf %parallel_loop3A_77, %get3A_34 : vector<16xf32>
      %parallel_loop3A_151 = arith.fptosi %parallel_loop3A_150 : vector<16xf32> to vector<16xi32>
      %parallel_loop3A_152 = arith.sitofp %parallel_loop3A_151 : vector<16xi32> to vector<16xf32>
      %parallel_loop3A_153 = arith.subf %parallel_loop3A_150, %parallel_loop3A_152 : vector<16xf32>
      %parallel_loop3A_154 = arith.constant -4 : i32
      %parallel_loop3A_155 = vector.broadcast %parallel_loop3A_154 : i32 to vector<16xi32>
      %parallel_loop3A_156 = arith.andi %parallel_loop3A_151, %parallel_loop3A_155 : vector<16xi32>
      %parallel_loop3A_157 = arith.constant 7 : i32
      %parallel_loop3A_158 = vector.broadcast %parallel_loop3A_157 : i32 to vector<16xi32>
      %parallel_loop3A_159 = arith.shli %parallel_loop3A_156, %parallel_loop3A_158 : vector<16xi32>
      %parallel_loop3A_160 = arith.addi %parallel_loop3A_159, %parallel_loop3A_74 : vector<16xi32>
      %parallel_loop3A_161 = arith.constant 1 : i32
      %parallel_loop3A_162 = vector.broadcast %parallel_loop3A_161 : i32 to vector<16xi32>
      %parallel_loop3A_163 = arith.addi %parallel_loop3A_151, %parallel_loop3A_162 : vector<16xi32>
      %parallel_loop3A_164 = arith.constant -4 : i32
      %parallel_loop3A_165 = vector.broadcast %parallel_loop3A_164 : i32 to vector<16xi32>
      %parallel_loop3A_166 = arith.andi %parallel_loop3A_163, %parallel_loop3A_165 : vector<16xi32>
      %parallel_loop3A_167 = arith.constant 7 : i32
      %parallel_loop3A_168 = vector.broadcast %parallel_loop3A_167 : i32 to vector<16xi32>
      %parallel_loop3A_169 = arith.shli %parallel_loop3A_166, %parallel_loop3A_168 : vector<16xi32>
      %parallel_loop3A_170 = arith.addi %parallel_loop3A_169, %parallel_loop3A_74 : vector<16xi32>
      %parallel_loop3A_171 = arith.mulf %parallel_loop3A_80, %parallel_loop3A_153 : vector<16xf32>
      %parallel_loop3A_172 = arith.subf %parallel_loop3A_80, %parallel_loop3A_171 : vector<16xf32>
      tpu.vector_store_idx %arg9[%parallel_loop3A_160], %parallel_loop3A_172 {add = true} : memref<32768xf32, #tpu.memory_space<vmem>>[vector<16xi32>], vector<16xf32>,
      tpu.vector_store_idx %arg9[%parallel_loop3A_170], %parallel_loop3A_171 {add = true} : memref<32768xf32, #tpu.memory_space<vmem>>[vector<16xi32>], vector<16xf32>,
      %parallel_loop3A_173 = arith.addf %parallel_loop3A_77, %get3A_38 : vector<16xf32>
      %parallel_loop3A_174 = arith.fptosi %parallel_loop3A_173 : vector<16xf32> to vector<16xi32>
      %parallel_loop3A_175 = arith.sitofp %parallel_loop3A_174 : vector<16xi32> to vector<16xf32>
      %parallel_loop3A_176 = arith.subf %parallel_loop3A_173, %parallel_loop3A_175 : vector<16xf32>
      %parallel_loop3A_177 = arith.constant -4 : i32
      %parallel_loop3A_178 = vector.broadcast %parallel_loop3A_177 : i32 to vector<16xi32>
      %parallel_loop3A_179 = arith.andi %parallel_loop3A_174, %parallel_loop3A_178 : vector<16xi32>
      %parallel_loop3A_180 = arith.constant 7 : i32
      %parallel_loop3A_181 = vector.broadcast %parallel_loop3A_180 : i32 to vector<16xi32>
      %parallel_loop3A_182 = arith.shli %parallel_loop3A_179, %parallel_loop3A_181 : vector<16xi32>
      %parallel_loop3A_183 = arith.addi %parallel_loop3A_182, %parallel_loop3A_74 : vector<16xi32>
      %parallel_loop3A_184 = arith.constant 1 : i32
      %parallel_loop3A_185 = vector.broadcast %parallel_loop3A_184 : i32 to vector<16xi32>
      %parallel_loop3A_186 = arith.addi %parallel_loop3A_174, %parallel_loop3A_185 : vector<16xi32>
      %parallel_loop3A_187 = arith.constant -4 : i32
      %parallel_loop3A_188 = vector.broadcast %parallel_loop3A_187 : i32 to vector<16xi32>
      %parallel_loop3A_189 = arith.andi %parallel_loop3A_186, %parallel_loop3A_188 : vector<16xi32>
      %parallel_loop3A_190 = arith.constant 7 : i32
      %parallel_loop3A_191 = vector.broadcast %parallel_loop3A_190 : i32 to vector<16xi32>
      %parallel_loop3A_192 = arith.shli %parallel_loop3A_189, %parallel_loop3A_191 : vector<16xi32>
      %parallel_loop3A_193 = arith.addi %parallel_loop3A_192, %parallel_loop3A_74 : vector<16xi32>
      %parallel_loop3A_194 = arith.mulf %parallel_loop3A_80, %parallel_loop3A_176 : vector<16xf32>
      %parallel_loop3A_195 = arith.subf %parallel_loop3A_80, %parallel_loop3A_194 : vector<16xf32>
      tpu.vector_store_idx %arg9[%parallel_loop3A_183], %parallel_loop3A_195 {add = true} : memref<32768xf32, #tpu.memory_space<vmem>>[vector<16xi32>], vector<16xf32>,
      tpu.vector_store_idx %arg9[%parallel_loop3A_193], %parallel_loop3A_194 {add = true} : memref<32768xf32, #tpu.memory_space<vmem>>[vector<16xi32>], vector<16xf32>,
      %parallel_loop3A_196 = arith.addf %parallel_loop3A_77, %get3A_42 : vector<16xf32>
      %parallel_loop3A_197 = arith.fptosi %parallel_loop3A_196 : vector<16xf32> to vector<16xi32>
      %parallel_loop3A_198 = arith.sitofp %parallel_loop3A_197 : vector<16xi32> to vector<16xf32>
      %parallel_loop3A_199 = arith.subf %parallel_loop3A_196, %parallel_loop3A_198 : vector<16xf32>
      %parallel_loop3A_200 = arith.constant -4 : i32
      %parallel_loop3A_201 = vector.broadcast %parallel_loop3A_200 : i32 to vector<16xi32>
      %parallel_loop3A_202 = arith.andi %parallel_loop3A_197, %parallel_loop3A_201 : vector<16xi32>
      %parallel_loop3A_203 = arith.constant 7 : i32
      %parallel_loop3A_204 = vector.broadcast %parallel_loop3A_203 : i32 to vector<16xi32>
      %parallel_loop3A_205 = arith.shli %parallel_loop3A_202, %parallel_loop3A_204 : vector<16xi32>
      %parallel_loop3A_206 = arith.addi %parallel_loop3A_205, %parallel_loop3A_74 : vector<16xi32>
      %parallel_loop3A_207 = arith.constant 1 : i32
      %parallel_loop3A_208 = vector.broadcast %parallel_loop3A_207 : i32 to vector<16xi32>
      %parallel_loop3A_209 = arith.addi %parallel_loop3A_197, %parallel_loop3A_208 : vector<16xi32>
      %parallel_loop3A_210 = arith.constant -4 : i32
      %parallel_loop3A_211 = vector.broadcast %parallel_loop3A_210 : i32 to vector<16xi32>
      %parallel_loop3A_212 = arith.andi %parallel_loop3A_209, %parallel_loop3A_211 : vector<16xi32>
      %parallel_loop3A_213 = arith.constant 7 : i32
      %parallel_loop3A_214 = vector.broadcast %parallel_loop3A_213 : i32 to vector<16xi32>
      %parallel_loop3A_215 = arith.shli %parallel_loop3A_212, %parallel_loop3A_214 : vector<16xi32>
      %parallel_loop3A_216 = arith.addi %parallel_loop3A_215, %parallel_loop3A_74 : vector<16xi32>
      %parallel_loop3A_217 = arith.mulf %parallel_loop3A_80, %parallel_loop3A_199 : vector<16xf32>
      %parallel_loop3A_218 = arith.subf %parallel_loop3A_80, %parallel_loop3A_217 : vector<16xf32>
      tpu.vector_store_idx %arg9[%parallel_loop3A_206], %parallel_loop3A_218 {add = true} : memref<32768xf32, #tpu.memory_space<vmem>>[vector<16xi32>], vector<16xf32>,
      tpu.vector_store_idx %arg9[%parallel_loop3A_216], %parallel_loop3A_217 {add = true} : memref<32768xf32, #tpu.memory_space<vmem>>[vector<16xi32>], vector<16xf32>,
      %parallel_loop3A_219 = arith.addf %parallel_loop3A_77, %get3A_46 : vector<16xf32>
      %parallel_loop3A_220 = arith.fptosi %parallel_loop3A_219 : vector<16xf32> to vector<16xi32>
      %parallel_loop3A_221 = arith.sitofp %parallel_loop3A_220 : vector<16xi32> to vector<16xf32>
      %parallel_loop3A_222 = arith.subf %parallel_loop3A_219, %parallel_loop3A_221 : vector<16xf32>
      %parallel_loop3A_223 = arith.constant -4 : i32
      %parallel_loop3A_224 = vector.broadcast %parallel_loop3A_223 : i32 to vector<16xi32>
      %parallel_loop3A_225 = arith.andi %parallel_loop3A_220, %parallel_loop3A_224 : vector<16xi32>
      %parallel_loop3A_226 = arith.constant 7 : i32
      %parallel_loop3A_227 = vector.broadcast %parallel_loop3A_226 : i32 to vector<16xi32>
      %parallel_loop3A_228 = arith.shli %parallel_loop3A_225, %parallel_loop3A_227 : vector<16xi32>
      %parallel_loop3A_229 = arith.addi %parallel_loop3A_228, %parallel_loop3A_74 : vector<16xi32>
      %parallel_loop3A_230 = arith.constant 1 : i32
      %parallel_loop3A_231 = vector.broadcast %parallel_loop3A_230 : i32 to vector<16xi32>
      %parallel_loop3A_232 = arith.addi %parallel_loop3A_220, %parallel_loop3A_231 : vector<16xi32>
      %parallel_loop3A_233 = arith.constant -4 : i32
      %parallel_loop3A_234 = vector.broadcast %parallel_loop3A_233 : i32 to vector<16xi32>
      %parallel_loop3A_235 = arith.andi %parallel_loop3A_232, %parallel_loop3A_234 : vector<16xi32>
      %parallel_loop3A_236 = arith.constant 7 : i32
      %parallel_loop3A_237 = vector.broadcast %parallel_loop3A_236 : i32 to vector<16xi32>
      %parallel_loop3A_238 = arith.shli %parallel_loop3A_235, %parallel_loop3A_237 : vector<16xi32>
      %parallel_loop3A_239 = arith.addi %parallel_loop3A_238, %parallel_loop3A_74 : vector<16xi32>
      %parallel_loop3A_240 = arith.mulf %parallel_loop3A_80, %parallel_loop3A_222 : vector<16xf32>
      %parallel_loop3A_241 = arith.subf %parallel_loop3A_80, %parallel_loop3A_240 : vector<16xf32>
      tpu.vector_store_idx %arg9[%parallel_loop3A_229], %parallel_loop3A_241 {add = true} : memref<32768xf32, #tpu.memory_space<vmem>>[vector<16xi32>], vector<16xf32>,
      tpu.vector_store_idx %arg9[%parallel_loop3A_239], %parallel_loop3A_240 {add = true} : memref<32768xf32, #tpu.memory_space<vmem>>[vector<16xi32>], vector<16xf32>,
      %parallel_loop3A_242 = arith.addf %parallel_loop3A_77, %get3A_50 : vector<16xf32>
      %parallel_loop3A_243 = arith.fptosi %parallel_loop3A_242 : vector<16xf32> to vector<16xi32>
      %parallel_loop3A_244 = arith.sitofp %parallel_loop3A_243 : vector<16xi32> to vector<16xf32>
      %parallel_loop3A_245 = arith.subf %parallel_loop3A_242, %parallel_loop3A_244 : vector<16xf32>
      %parallel_loop3A_246 = arith.constant -4 : i32
      %parallel_loop3A_247 = vector.broadcast %parallel_loop3A_246 : i32 to vector<16xi32>
      %parallel_loop3A_248 = arith.andi %parallel_loop3A_243, %parallel_loop3A_247 : vector<16xi32>
      %parallel_loop3A_249 = arith.constant 7 : i32
      %parallel_loop3A_250 = vector.broadcast %parallel_loop3A_249 : i32 to vector<16xi32>
      %parallel_loop3A_251 = arith.shli %parallel_loop3A_248, %parallel_loop3A_250 : vector<16xi32>
      %parallel_loop3A_252 = arith.addi %parallel_loop3A_251, %parallel_loop3A_74 : vector<16xi32>
      %parallel_loop3A_253 = arith.constant 1 : i32
      %parallel_loop3A_254 = vector.broadcast %parallel_loop3A_253 : i32 to vector<16xi32>
      %parallel_loop3A_255 = arith.addi %parallel_loop3A_243, %parallel_loop3A_254 : vector<16xi32>
      %parallel_loop3A_256 = arith.constant -4 : i32
      %parallel_loop3A_257 = vector.broadcast %parallel_loop3A_256 : i32 to vector<16xi32>
      %parallel_loop3A_258 = arith.andi %parallel_loop3A_255, %parallel_loop3A_257 : vector<16xi32>
      %parallel_loop3A_259 = arith.constant 7 : i32
      %parallel_loop3A_260 = vector.broadcast %parallel_loop3A_259 : i32 to vector<16xi32>
      %parallel_loop3A_261 = arith.shli %parallel_loop3A_258, %parallel_loop3A_260 : vector<16xi32>
      %parallel_loop3A_262 = arith.addi %parallel_loop3A_261, %parallel_loop3A_74 : vector<16xi32>
      %parallel_loop3A_263 = arith.mulf %parallel_loop3A_80, %parallel_loop3A_245 : vector<16xf32>
      %parallel_loop3A_264 = arith.subf %parallel_loop3A_80, %parallel_loop3A_263 : vector<16xf32>
      tpu.vector_store_idx %arg9[%parallel_loop3A_252], %parallel_loop3A_264 {add = true} : memref<32768xf32, #tpu.memory_space<vmem>>[vector<16xi32>], vector<16xf32>,
      tpu.vector_store_idx %arg9[%parallel_loop3A_262], %parallel_loop3A_263 {add = true} : memref<32768xf32, #tpu.memory_space<vmem>>[vector<16xi32>], vector<16xf32>,
    } {sc.loop_unroll_factor = 2 : i64, sc.parallel_access}
    %mul3A_54 = arith.constant 32768 : i32
    %mul3A_55 = arith.muli %add3A, %mul3A_54 : i32
    "tpu.region"() ({
      %run_scoped3A = tpu.sem_alloc : memref<!tpu.dma_semaphore, #tpu.memory_space<semaphore_mem>>
      %dma_start3A_56 = tpu.memref_slice %arg5[%mul3A_55] : memref<1048576xf32, #tpu.memory_space<hbm>> -> memref<32768xf32, #tpu.memory_space<hbm>>
      %dma_start3A_57 = tpu.memref_slice %arg5[%mul3A_55] : memref<1048576xf32, #tpu.memory_space<hbm>> -> memref<32768xf32, #tpu.memory_space<hbm>>
      tpu.enqueue_dma source(%arg9 : memref<32768xf32, #tpu.memory_space<vmem>>) target(%dma_start3A_57 : memref<32768xf32, #tpu.memory_space<hbm>>) target_semaphore(%run_scoped3A : memref<!tpu.dma_semaphore, #tpu.memory_space<semaphore_mem>>)
      %dma_wait3A_58 = tpu.memref_slice %arg5[%mul3A_55] : memref<1048576xf32, #tpu.memory_space<hbm>> -> memref<32768xf32, #tpu.memory_space<hbm>>
      %dma_wait3A_59 = tpu.memref_slice %arg5[%mul3A_55] : memref<1048576xf32, #tpu.memory_space<hbm>> -> memref<32768xf32, #tpu.memory_space<hbm>>
      tpu.wait_dma2 semaphore(%run_scoped3A : memref<!tpu.dma_semaphore, #tpu.memory_space<semaphore_mem>>) src(%arg9 : memref<32768xf32, #tpu.memory_space<vmem>>) dst(%dma_wait3A_59 : memref<32768xf32, #tpu.memory_space<hbm>>)
      tpu.yield
    }) : () -> ()
    return
  }
}

module attributes {stable_mosaic.version = 14 : i64} {
  func.func @_fields_body(%arg0: i32, %arg1: memref<19xf32, #tpu.memory_space<smem>>, %arg2: memref<256x512xf32, #tpu.memory_space<vmem>>, %arg3: memref<256x512xf32, #tpu.memory_space<vmem>>) attributes {dimension_semantics = [#tpu.dimension_semantics<arbitrary>], iteration_bounds = array<i64: 2>, scalar_prefetch = 0 : i64, scratch_operands = 0 : i64, tpu.core_type = #tpu.core_type<tc>, window_params = [{transform_indices = @transform_0, window_bounds = array<i64: 19>}, {transform_indices = @transform_1, window_bounds = array<i64: 256, 512>}, {transform_indices = @transform_2, window_bounds = array<i64: 256, 512>}]} {
    %get3A = arith.constant 1 : index
    %get3A_0 = memref.load %arg1[%get3A] : memref<19xf32, #tpu.memory_space<smem>>
    %get3A_1 = arith.constant 2 : index
    %get3A_2 = memref.load %arg1[%get3A_1] : memref<19xf32, #tpu.memory_space<smem>>
    %get3A_3 = arith.constant 3 : index
    %get3A_4 = memref.load %arg1[%get3A_3] : memref<19xf32, #tpu.memory_space<smem>>
    %get3A_5 = arith.constant 4 : index
    %get3A_6 = memref.load %arg1[%get3A_5] : memref<19xf32, #tpu.memory_space<smem>>
    %get3A_7 = arith.constant 5 : index
    %get3A_8 = memref.load %arg1[%get3A_7] : memref<19xf32, #tpu.memory_space<smem>>
    %get3A_9 = arith.constant 6 : index
    %get3A_10 = memref.load %arg1[%get3A_9] : memref<19xf32, #tpu.memory_space<smem>>
    %get3A_11 = arith.constant 7 : index
    %get3A_12 = memref.load %arg1[%get3A_11] : memref<19xf32, #tpu.memory_space<smem>>
    %get3A_13 = arith.constant 8 : index
    %get3A_14 = memref.load %arg1[%get3A_13] : memref<19xf32, #tpu.memory_space<smem>>
    %get3A_15 = arith.constant 9 : index
    %get3A_16 = memref.load %arg1[%get3A_15] : memref<19xf32, #tpu.memory_space<smem>>
    %get3A_17 = arith.constant 10 : index
    %get3A_18 = memref.load %arg1[%get3A_17] : memref<19xf32, #tpu.memory_space<smem>>
    %iota3A = tpu.iota {dimensions = array<i32: 1>} : vector<256x512xi32>
    %and3A = arith.constant 127 : i32
    %and3A_19 = vector.broadcast %and3A : i32 to vector<256x512xi32>
    %and3A_20 = arith.andi %iota3A, %and3A_19 : vector<256x512xi32>
    %shift_left3A = arith.constant 2 : i32
    %shift_left3A_21 = vector.broadcast %shift_left3A : i32 to vector<256x512xi32>
    %shift_left3A_22 = arith.shli %and3A_20, %shift_left3A_21 : vector<256x512xi32>
    %shift_right_arithmetic3A = arith.constant 7 : i32
    %shift_right_arithmetic3A_23 = vector.broadcast %shift_right_arithmetic3A : i32 to vector<256x512xi32>
    %shift_right_arithmetic3A_24 = arith.shrsi %iota3A, %shift_right_arithmetic3A_23 : vector<256x512xi32>
    %add3A = arith.addi %shift_left3A_22, %shift_right_arithmetic3A_24 : vector<256x512xi32>
    %convert_element_type3A = arith.sitofp %add3A : vector<256x512xi32> to vector<256x512xf32>
    %iota3A_25 = tpu.iota {dimensions = array<i32: 0>} : vector<256x512xi32>
    %mul3A = arith.constant 256 : i32
    %mul3A_26 = arith.muli %arg0, %mul3A : i32
    %add3A_27 = vector.broadcast %mul3A_26 : i32 to vector<256x512xi32>
    %add3A_28 = arith.addi %iota3A_25, %add3A_27 : vector<256x512xi32>
    %convert_element_type3A_29 = arith.sitofp %add3A_28 : vector<256x512xi32> to vector<256x512xf32>
    %mul3A_30 = arith.constant 1.250000e-02 : f32
    %mul3A_31 = vector.broadcast %mul3A_30 : f32 to vector<256x512xf32>
    %mul3A_32 = arith.mulf %mul3A_31, %convert_element_type3A : vector<256x512xf32>
    %add3A_33 = arith.constant -3.193750e+00 : f32
    %add3A_34 = vector.broadcast %add3A_33 : f32 to vector<256x512xf32>
    %add3A_35 = arith.addf %add3A_34, %mul3A_32 : vector<256x512xf32>
    %mul3A_36 = arith.constant 1.250000e-02 : f32
    %mul3A_37 = vector.broadcast %mul3A_36 : f32 to vector<256x512xf32>
    %mul3A_38 = arith.mulf %mul3A_37, %convert_element_type3A_29 : vector<256x512xf32>
    %add3A_39 = arith.constant -3.193750e+00 : f32
    %add3A_40 = vector.broadcast %add3A_39 : f32 to vector<256x512xf32>
    %add3A_41 = arith.addf %add3A_40, %mul3A_38 : vector<256x512xf32>
    %mul3A_42 = arith.mulf %add3A_35, %add3A_35 : vector<256x512xf32>
    %mul3A_43 = arith.mulf %add3A_41, %add3A_41 : vector<256x512xf32>
    %add3A_44 = arith.addf %mul3A_42, %mul3A_43 : vector<256x512xf32>
    %sqrt3A = math.sqrt %add3A_44 : vector<256x512xf32>
    %add3A_45 = arith.constant 9.99999996E-13 : f32
    %add3A_46 = vector.broadcast %add3A_45 : f32 to vector<256x512xf32>
    %add3A_47 = arith.addf %sqrt3A, %add3A_46 : vector<256x512xf32>
    %mul3A_48 = arith.constant 1.000000e+00 : f32
    %mul3A_49 = vector.broadcast %mul3A_48 : f32 to vector<256x512xf32>
    %mul3A_50 = arith.mulf %mul3A_49, %add3A_35 : vector<256x512xf32>
    %div3A = arith.divf %mul3A_50, %add3A_47 : vector<256x512xf32>
    %sub3A = arith.subf %add3A_35, %div3A : vector<256x512xf32>
    %mul3A_51 = arith.constant 1.000000e+00 : f32
    %mul3A_52 = vector.broadcast %mul3A_51 : f32 to vector<256x512xf32>
    %mul3A_53 = arith.mulf %mul3A_52, %add3A_41 : vector<256x512xf32>
    %div3A_54 = arith.divf %mul3A_53, %add3A_47 : vector<256x512xf32>
    %sub3A_55 = arith.subf %add3A_41, %div3A_54 : vector<256x512xf32>
    %sub3A_56 = vector.broadcast %get3A_8 : f32 to vector<256x512xf32>
    %sub3A_57 = arith.subf %sub3A, %sub3A_56 : vector<256x512xf32>
    %mul3A_58 = vector.broadcast %get3A_6 : f32 to vector<256x512xf32>
    %mul3A_59 = arith.mulf %sub3A_57, %mul3A_58 : vector<256x512xf32>
    %sub3A_60 = vector.broadcast %get3A_10 : f32 to vector<256x512xf32>
    %sub3A_61 = arith.subf %sub3A_55, %sub3A_60 : vector<256x512xf32>
    %mul3A_62 = vector.broadcast %get3A_6 : f32 to vector<256x512xf32>
    %mul3A_63 = arith.mulf %sub3A_61, %mul3A_62 : vector<256x512xf32>
    %mul3A_64 = vector.broadcast %get3A_2 : f32 to vector<256x512xf32>
    %mul3A_65 = arith.mulf %mul3A_64, %mul3A_59 : vector<256x512xf32>
    %mul3A_66 = vector.broadcast %get3A_4 : f32 to vector<256x512xf32>
    %mul3A_67 = arith.mulf %mul3A_66, %mul3A_63 : vector<256x512xf32>
    %add3A_68 = arith.addf %mul3A_65, %mul3A_67 : vector<256x512xf32>
    %neg3A = arith.constant 0.000000e+00 : f32
    %neg3A_69 = arith.subf %neg3A, %get3A_4 : f32
    %mul3A_70 = vector.broadcast %neg3A_69 : f32 to vector<256x512xf32>
    %mul3A_71 = arith.mulf %mul3A_70, %mul3A_59 : vector<256x512xf32>
    %mul3A_72 = vector.broadcast %get3A_2 : f32 to vector<256x512xf32>
    %mul3A_73 = arith.mulf %mul3A_72, %mul3A_63 : vector<256x512xf32>
    %add3A_74 = arith.addf %mul3A_71, %mul3A_73 : vector<256x512xf32>
    %mul3A_75 = vector.broadcast %get3A_18 : f32 to vector<256x512xf32>
    %mul3A_76 = arith.mulf %add3A_74, %mul3A_75 : vector<256x512xf32>
    %mul3A_77 = arith.mulf %add3A_68, %add3A_68 : vector<256x512xf32>
    %mul3A_78 = arith.mulf %mul3A_76, %mul3A_76 : vector<256x512xf32>
    %add3A_79 = arith.addf %mul3A_77, %mul3A_78 : vector<256x512xf32>
    %sqrt3A_80 = math.sqrt %add3A_79 : vector<256x512xf32>
    %neg3A_81 = arith.constant 0.000000e+00 : f32
    %neg3A_82 = vector.broadcast %neg3A_81 : f32 to vector<256x512xf32>
    %neg3A_83 = arith.subf %neg3A_82, %sqrt3A_80 : vector<256x512xf32>
    %div3A_84 = arith.constant 5.000000e+02 : f32
    %div3A_85 = vector.broadcast %div3A_84 : f32 to vector<256x512xf32>
    %div3A_86 = arith.divf %neg3A_83, %div3A_85 : vector<256x512xf32>
    %exp3A = math.exp %div3A_86 : vector<256x512xf32>
    %mul3A_87 = arith.constant 5.000000e-03 : f32
    %mul3A_88 = vector.broadcast %mul3A_87 : f32 to vector<256x512xf32>
    %mul3A_89 = arith.mulf %sqrt3A_80, %mul3A_88 : vector<256x512xf32>
    %gt3A = arith.constant 2.41421366 : f32
    %gt3A_90 = vector.broadcast %gt3A : f32 to vector<256x512xf32>
    %gt3A_91 = arith.cmpf ogt, %mul3A_89, %gt3A_90 : vector<256x512xf32>
    %gt3A_92 = arith.constant 0.414213568 : f32
    %gt3A_93 = vector.broadcast %gt3A_92 : f32 to vector<256x512xf32>
    %gt3A_94 = arith.cmpf ogt, %mul3A_89, %gt3A_93 : vector<256x512xf32>
    %div3A_95 = arith.constant -1.000000e+00 : f32
    %div3A_96 = vector.broadcast %div3A_95 : f32 to vector<256x512xf32>
    %div3A_97 = arith.divf %div3A_96, %mul3A_89 : vector<256x512xf32>
    %sub3A_98 = arith.constant 1.000000e+00 : f32
    %sub3A_99 = vector.broadcast %sub3A_98 : f32 to vector<256x512xf32>
    %sub3A_100 = arith.subf %mul3A_89, %sub3A_99 : vector<256x512xf32>
    %add3A_101 = arith.constant 1.000000e+00 : f32
    %add3A_102 = vector.broadcast %add3A_101 : f32 to vector<256x512xf32>
    %add3A_103 = arith.addf %mul3A_89, %add3A_102 : vector<256x512xf32>
    %div3A_104 = arith.divf %sub3A_100, %add3A_103 : vector<256x512xf32>
    %select_n3A = arith.select %gt3A_94, %div3A_104, %mul3A_89 : vector<256x512xi1>, vector<256x512xf32>
    %select_n3A_105 = arith.select %gt3A_91, %div3A_97, %select_n3A : vector<256x512xi1>, vector<256x512xf32>
    %jit3A = arith.constant 0.785398185 : f32
    %jit3A_106 = arith.constant 0.000000e+00 : f32
    %broadcast_in_dim3A = vector.broadcast %jit3A : f32 to vector<256x512xf32>
    %broadcast_in_dim3A_107 = vector.broadcast %jit3A_106 : f32 to vector<256x512xf32>
    %select_n3A_108 = arith.select %gt3A_94, %broadcast_in_dim3A, %broadcast_in_dim3A_107 : vector<256x512xi1>, vector<256x512xf32>
    %jit3A_109 = arith.constant 1.57079637 : f32
    %broadcast_in_dim3A_110 = vector.broadcast %jit3A_109 : f32 to vector<256x512xf32>
    %select_n3A_111 = arith.select %gt3A_91, %broadcast_in_dim3A_110, %select_n3A_108 : vector<256x512xi1>, vector<256x512xf32>
    %mul3A_112 = arith.mulf %select_n3A_105, %select_n3A_105 : vector<256x512xf32>
    %mul3A_113 = arith.constant 0.0805374458 : f32
    %mul3A_114 = vector.broadcast %mul3A_113 : f32 to vector<256x512xf32>
    %mul3A_115 = arith.mulf %mul3A_114, %mul3A_112 : vector<256x512xf32>
    %sub3A_116 = arith.constant 0.138776854 : f32
    %sub3A_117 = vector.broadcast %sub3A_116 : f32 to vector<256x512xf32>
    %sub3A_118 = arith.subf %mul3A_115, %sub3A_117 : vector<256x512xf32>
    %mul3A_119 = arith.mulf %sub3A_118, %mul3A_112 : vector<256x512xf32>
    %add3A_120 = arith.constant 0.199777111 : f32
    %add3A_121 = vector.broadcast %add3A_120 : f32 to vector<256x512xf32>
    %add3A_122 = arith.addf %mul3A_119, %add3A_121 : vector<256x512xf32>
    %mul3A_123 = arith.mulf %add3A_122, %mul3A_112 : vector<256x512xf32>
    %sub3A_124 = arith.constant 0.333329499 : f32
    %sub3A_125 = vector.broadcast %sub3A_124 : f32 to vector<256x512xf32>
    %sub3A_126 = arith.subf %mul3A_123, %sub3A_125 : vector<256x512xf32>
    %mul3A_127 = arith.mulf %sub3A_126, %mul3A_112 : vector<256x512xf32>
    %mul3A_128 = arith.mulf %mul3A_127, %select_n3A_105 : vector<256x512xf32>
    %add3A_129 = arith.addf %mul3A_128, %select_n3A_105 : vector<256x512xf32>
    %add3A_130 = arith.addf %select_n3A_111, %add3A_129 : vector<256x512xf32>
    %mul3A_131 = arith.constant 127.323952 : f32
    %mul3A_132 = vector.broadcast %mul3A_131 : f32 to vector<256x512xf32>
    %mul3A_133 = arith.mulf %mul3A_132, %add3A_130 : vector<256x512xf32>
    %add3A_134 = arith.constant 9.99999996E-13 : f32
    %add3A_135 = vector.broadcast %add3A_134 : f32 to vector<256x512xf32>
    %add3A_136 = arith.addf %sqrt3A_80, %add3A_135 : vector<256x512xf32>
    %div3A_137 = arith.divf %add3A_68, %add3A_136 : vector<256x512xf32>
    %mul3A_138 = vector.broadcast %get3A_0 : f32 to vector<256x512xf32>
    %mul3A_139 = arith.mulf %mul3A_133, %mul3A_138 : vector<256x512xf32>
    %mul3A_140 = arith.mulf %mul3A_139, %div3A_137 : vector<256x512xf32>
    %add3A_141 = vector.broadcast %get3A_12 : f32 to vector<256x512xf32>
    %add3A_142 = arith.addf %mul3A_140, %add3A_141 : vector<256x512xf32>
    %sub3A_143 = arith.constant -3.187500e+02 : f32
    %sub3A_144 = vector.broadcast %sub3A_143 : f32 to vector<256x512xf32>
    %sub3A_145 = arith.subf %add3A_142, %sub3A_144 : vector<256x512xf32>
    %mul3A_146 = arith.constant 4.000000e-01 : f32
    %mul3A_147 = vector.broadcast %mul3A_146 : f32 to vector<256x512xf32>
    %mul3A_148 = arith.mulf %sub3A_145, %mul3A_147 : vector<256x512xf32>
    %max3A = vector.broadcast %get3A_14 : f32 to vector<256x512xf32>
    %max3A_149 = arith.maximumf %mul3A_148, %max3A : vector<256x512xf32>
    %min3A = vector.broadcast %get3A_16 : f32 to vector<256x512xf32>
    %min3A_150 = arith.minimumf %max3A_149, %min3A : vector<256x512xf32>
    %swap3A = arith.constant 0 : index
    %swap3A_151 = arith.constant 0 : index
    %swap3A_152 = vector.load %arg2[%swap3A, %swap3A_151] : memref<256x512xf32, #tpu.memory_space<vmem>>, vector<256x512xf32>
    tpu.vector_store %arg2[%swap3A, %swap3A_151], %min3A_150 {strides = array<i32>} : memref<256x512xf32, #tpu.memory_space<vmem>>, vector<256x512xf32>,
    %mul3A_153 = arith.constant 0.001953125 : f32
    %mul3A_154 = vector.broadcast %mul3A_153 : f32 to vector<256x512xf32>
    %mul3A_155 = arith.mulf %exp3A, %mul3A_154 : vector<256x512xf32>
    %swap3A_156 = arith.constant 0 : index
    %swap3A_157 = arith.constant 0 : index
    %swap3A_158 = vector.load %arg3[%swap3A_156, %swap3A_157] : memref<256x512xf32, #tpu.memory_space<vmem>>, vector<256x512xf32>
    tpu.vector_store %arg3[%swap3A_156, %swap3A_157], %mul3A_155 {strides = array<i32>} : memref<256x512xf32, #tpu.memory_space<vmem>>, vector<256x512xf32>,
    return
  }
  func.func @transform_0(%arg0: i32) -> i32 {
    %c0_i32 = arith.constant 0 : i32
    %c0_i32_0 = arith.constant 0 : i32
    return %c0_i32 : i32
  }
  func.func @transform_1(%arg0: i32) -> (i32, i32) {
    %c0_i32 = arith.constant 0 : i32
    %c0_i32_0 = arith.constant 0 : i32
    return %arg0, %c0_i32 : i32, i32
  }
  func.func @transform_2(%arg0: i32) -> (i32, i32) {
    %c0_i32 = arith.constant 0 : i32
    %c0_i32_0 = arith.constant 0 : i32
    return %arg0, %c0_i32 : i32, i32
  }
}

</mosaic_0001>

<sc_bundles>
// kernel: kernel.4.cloned.1.call-start
scs
__scs_entry_jumppad:
0x0: {  	(pc) =	sbr.rel $0x88, $3  }
0x1: {  	(tag) =	ssettag $0x0;
	lr =	simm.s32 $0x1  }
0x2: {  	[smem:$0x3F9A] =	sst lr;
	_ =	strace $0xD0000000  }
0x3: {  	_ = 	snop  }
0x4: {  	_ = 	snop  }
0x5: {  	_ = 	snop  }
0x6: {  	_ = 	snop  }
0x7: {  	_ = 	snop  }
__scs_overlays_trampoline_lowered:
0x8: {  	[smem:$0x3FA9] =	sst s0  }
0x9: {  	[smem:$0x3FAA] =	sst s1  }
0xa: {  	[smem:$0x3FAB] =	sst s2  }
0xb: {  	[smem:$0x3FAC] =	sst s3  }
0xc: {  	[smem:$0x3FAD] =	sst s4  }
0xd: {  	[smem:$0x3FAE] =	sst s5  }
0xe: {  	[smem:$0x3FAF] =	sst s6  }
0xf: {  	[smem:$0x3FB0] =	sst s7  }
0x10: {  	[smem:$0x3FB1] =	sst s8  }
0x11: {  	[smem:$0x3FB2] =	sst s9;
	s0 =	simm.s32 @!p0 $0x0  }
0x12: {  	s1 =	sld [smem:$0x3F98];
	s0 =	simm.s32 @p0 $0x1  }
0x13: {  	[smem:$0x3FB3] =	sst s0;
	s0 =	simm.s32 @!p1 $0x0  }
0x14: {  	s2 =	sld [smem:$0x3F97];
	s0 =	simm.s32 @p1 $0x1  }
0x15: {  	[smem:$0x3FB4] =	sst s0;
	s0 =	simm.s32 @!p2 $0x0  }
0x16: {  	s3 =	sld [smem:$0x3FDB];
	s0 =	simm.s32 @p2 $0x1  }
0x17: {  	s4 =	simm.s32 $0x1BF5;
	[smem:$0x3FB6] =	sst s0  }
0x18: {  	s0 =	sld [smem:$0x3F99];
	_ =	swait.ge [sflag:s4], $0x0  }
0x19: {  	s7 =	sld [smem:$0x3F9A]  }
0x1a: {  	s8 =	sadd.s32 $0xFFFFE003, lr  }
0x1b: {  	s9 =	sadd.s32 $0xFFFFFEF7, lr;
	s5 =	simm.s32 $0xFFFFFFFF;
	p2 =	slt.u32 s8, $0xFFFFF086  }
0x1c: {  	p1 =	slt.u32 s9, $0xF7A;
	s5 =	simm.s32 @!p2 $0x0  }
0x1d: {  	s5 =	simm.s32 @p1 $0x1;
	p0 =	seq.s32 s7, s2  }
0x1e: {  	s7 =	smul.u32 @!p0 $0xF7A, s2;
	p2 =	seq.s32 @!p0 s5, $0x0  }
0x1f: {  	s9 =	smul.u32 $0xF7A, s1;
	s8 =	simm.s32 @!p0 $0x1BF5;
	p2 =	por !p2, p0  }
0x20: {  	[sflag:s8] =	ssyncset.s32 @!p0 $0xFFFFF086;
	s6 =	sadd.s32 @!p0 s3, s7;
	s7 =	simm.s32 @!p0 $0x108  }
0x21: {  	s3 =	sadd.s32 s3, s9;
	s6 =	sadd.s32 @!p0 $0x88, s6;
	s7 =	simm.s32 @p2 $0x1082  }
0x22: {  	[simem:s7], [sflag:s8] =	dma.local @!p0 [hbm:s6], $0xF7A  }
0x23: {  	s9 =	sor.u32 $0xD0000000, s2;
	s6 =	simm.s32 $0x108;
	_ =	swait.ge @!p0 [sflag:s8], $0x0  }
0x24: {  	s3 =	sadd.s32 $0x88, s3;
	s6 =	simm.s32 @!p1 $0x1082;
	[sflag:s4] =	ssyncset.s32 $0xFFFFF086  }
0x25: {  	[simem:s6], [sflag:s4] =	dma.local [hbm:s3], $0xF7A  }
0x26: {  	[smem:$0x3F9A] =	sst s1;
	(tag) =	ssettag s2;
	_ =	strace s9  }
0x27: {  	s1 =	sld [smem:$0x3FAA]  }
0x28: {  	s2 =	sld [smem:$0x3FAB]  }
0x29: {  	s4 =	sld [smem:$0x3FAD]  }
0x2a: {  	p0 =	seq.s32 s5, $0x0;
	s5 =	sld [smem:$0x3FAE]  }
0x2b: {  	s6 =	sld [smem:$0x3FAF]  }
0x2c: {  	s7 =	sld [smem:$0x3FB0]  }
0x2d: {  	s3 =	simm.s32 $0x108;
	s8 =	sld [smem:$0x3FB1]  }
0x2e: {  	s3 =	simm.s32 @!p0 $0x1082;
	s9 =	sld [smem:$0x3FB2]  }
0x2f: {  	lr =	sadd.s32 s0, s3;
	s0 =	sld [smem:$0x3FA9]  }
0x30: {  	s3 =	sld [smem:$0x3FAC]  }
0x31: {  	[smem:$0x3FB5] =	sst s10  }
0x32: {  	s10 =	sld [smem:$0x3FB3];
	_ =	sdelay $0x3  }
0x33: {  	p0 =	seq.s32 s10, $0x1;
	s10 =	sld [smem:$0x3FB5];
	_ =	sdelay $0x3  }
0x34: {  	[smem:$0x3FB5] =	sst s10  }
0x35: {  	s10 =	sld [smem:$0x3FB4];
	_ =	sdelay $0x3  }
0x36: {  	p1 =	seq.s32 s10, $0x1;
	s10 =	sld [smem:$0x3FB5];
	_ =	sdelay $0x3  }
0x37: {  	[smem:$0x3FB5] =	sst s10  }
0x38: {  	s10 =	sld [smem:$0x3FB6]  }
0x39: {  	_ = 	snop;
	(pc) =	sbr.ind lr, $3  }
0x3a: {  	_ = 	snop  }
0x3b: {  	_ = 	snop  }
0x3c: {  	p2 =	seq.s32 s10, $0x1;
	s10 =	sld [smem:$0x3FB5]  }
0x3d: {  	_ =	shalt  }
0x3e: {  	_ =	shalt  }
0x3f: {  	_ =	shalt  }
0x40: {  	_ =	shalt  }
0x41: {  	_ =	shalt  }
0x42: {  	_ =	shalt  }
0x43: {  	_ =	shalt  }
0x44: {  	_ =	shalt  }
0x45: {  	_ =	shalt  }
0x46: {  	_ =	shalt  }
0x47: {  	_ =	shalt  }
0x48: {  	_ =	shalt  }
0x49: {  	_ =	shalt  }
0x4a: {  	_ =	shalt  }
0x4b: {  	_ =	shalt  }
0x4c: {  	_ =	shalt  }
0x4d: {  	_ =	shalt  }
0x4e: {  	_ =	shalt  }
0x4f: {  	_ =	shalt  }
0x50: {  	_ =	shalt  }
0x51: {  	_ =	shalt  }
0x52: {  	_ =	shalt  }
0x53: {  	_ =	shalt  }
0x54: {  	_ =	shalt  }
0x55: {  	_ =	shalt  }
0x56: {  	_ =	shalt  }
0x57: {  	_ =	shalt  }
0x58: {  	_ =	shalt  }
0x59: {  	_ =	shalt  }
0x5a: {  	_ =	shalt  }
0x5b: {  	_ =	shalt  }
0x5c: {  	_ =	shalt  }
0x5d: {  	_ =	shalt  }
0x5e: {  	_ =	shalt  }
0x5f: {  	_ =	shalt  }
0x60: {  	_ =	shalt  }
0x61: {  	_ =	shalt  }
0x62: {  	_ =	shalt  }
0x63: {  	_ =	shalt  }
0x64: {  	_ =	shalt  }
0x65: {  	_ =	shalt  }
0x66: {  	_ =	shalt  }
0x67: {  	_ =	shalt  }
0x68: {  	_ =	shalt  }
0x69: {  	_ =	shalt  }
0x6a: {  	_ =	shalt  }
0x6b: {  	_ =	shalt  }
0x6c: {  	_ =	shalt  }
0x6d: {  	_ =	shalt  }
0x6e: {  	_ =	shalt  }
0x6f: {  	_ =	shalt  }
0x70: {  	_ =	shalt  }
0x71: {  	_ =	shalt  }
0x72: {  	_ =	shalt  }
0x73: {  	_ =	shalt  }
0x74: {  	_ =	shalt  }
0x75: {  	_ =	shalt  }
0x76: {  	_ =	shalt  }
0x77: {  	_ =	shalt  }
0x78: {  	_ =	shalt  }
0x79: {  	_ =	shalt  }
0x7a: {  	_ =	shalt  }
0x7b: {  	_ =	shalt  }
0x7c: {  	_ =	shalt  }
0x7d: {  	_ =	shalt  }
0x7e: {  	_ =	shalt  }
0x7f: {  	_ =	shalt  }
0x80: {  	_ =	shalt  }
0x81: {  	_ =	shalt  }
0x82: {  	_ =	shalt  }
0x83: {  	_ =	shalt  }
0x84: {  	_ =	shalt  }
0x85: {  	_ =	shalt  }
0x86: {  	_ =	shalt  }
0x87: {  	_ =	shalt  }
.Lfunc_end0:
.L_simem_size_0:
called_computation_lowered:
.L_overlay_start_0:
0x88: {  	s2 =	sld [smem:$0x3FD9]  }
0x89: {  	s3 =	sld [smem:$0x3FFE];
	_ =	sdelay $0x1  }
0x8a: {  	s1 =	srdreg.scid  }
0x8b: {  	s0 =	sand.u32 $0x1, s1  }
0x8c: {  	s17 =	sshll.u32 s0, $0xA;
	s2 =	sadd.s32 s3, s2  }
0x8d: {  	s2 =	sadd.s32 s2, s17  }
0x8e: {  	[smem:$0x3FC1] =	sst s2  }
0x8f: {  	_ = 	snop  }
0x90: {  	s2 =	sld [smem:$0x3FD0];
	(tm) =	ssettm $0x1  }
0x91: {  	s18 =	sld [smem:$0x3FFB];
	_ =	sdelay $0x3  }
0x92: {  	_ =	strace s18  }
0x93: {  	s3 =	sld [smem:$0x3FFC];
	_ =	sdelay $0x3  }
0x94: {  	_ =	strace s3  }
0x95: {  	s3 =	sld [smem:$0x3FFD];
	_ =	sdelay $0x3  }
0x96: {  	_ =	strace s3  }
0x97: {  	_ =	strace $0x8FFFFFFF  }
0x98: {  	s19 =	sld [smem:$0x3FDB];
	_ =	sdelay $0x1  }
0x99: {  	s4 =	simm.s32 $_scs_section_size  }
0x9a: {  	s5 =	simm.s32 $_size__tile_overlayer_lowered;
	s6 =	simm.s32 $_tile_overlayer_lowered  }
0x9b: {  	s22 =	simm.s32 $0x1BFF;
	s21 =	sshll.u32 s6, $0x1;
	s3 =	sadd.s32 s4, s19  }
0x9c: {  	s7 =	simm.s32 $0x0;
	s20 =	sshll.u32 s5, $0x1;
	s5 =	sadd.s32 s21, s3  }
0x9d: {  	[timem:s7], [sflag:s22] =	dma.local [hbm:s5], s20  }
0x9e: {  	_ =	swait.ge [sflag:s22], s20  }
0x9f: {  	s4 =	ssub.s32 $0x0, s20;
	[sflag:s22] =	ssyncset.done $0x0  }
0xa0: {  	[sflag:s22] =	ssyncadd.s32 s4;
	_ =	sdelay $0x1  }
0xa1: {  	s23 =	simm.s32 $0x1B8B  }
0xa2: {  	_ =	swait.ge [sflag:s23], $0x1  }
0xa3: {  	[sflag:s23] =	ssyncset.done $0x0  }
0xa4: {  	s25 =	simm.s32 $0x1B8E;
	s24 =	sld [smem:$0x3FFE];
	[sflag:s23] =	ssyncadd.s32 $0xFFFFFFFF  }
0xa5: {  	s26 =	simm.s32 $execute0_lowered;
	[smem:$0x3FD2] =	sst s25  }
0xa6: {  	s5 =	sshll.u32 s26, $0x1;
	_ =	strace $0x80000046;
	[dreg:$0x1] =	wrdreg $0xFFFFFFFF  }
0xa7: {  	s28 =	simm.s32 $_size_execute0_lowered;
	s3 =	sadd.s32 s3, s5;
	[dreg:$0x0] =	wrdreg $0x0  }
0xa8: {  	s5 =	sshll.u32 s28, $0x1;
	[dreg:$0x2] =	wrdreg s3  }
0xa9: {  	[dreg:$0x3] =	wrdreg s5  }
0xaa: {  	[dreg:$0x4] =	wrdreg $0xC0  }
0xab: {  	_ =	task [dreg:s7], $0x5FFFF  }
0xac: {  	[dreg:$0x1] =	wrdreg $0xFFFFFFFF  }
0xad: {  	[dreg:$0x0] =	wrdreg $0x60  }
0xae: {  	[dreg:$0x2] =	wrdreg s24  }
0xaf: {  	[dreg:$0x3] =	wrdreg s2  }
0xb0: {  	[dreg:$0x4] =	wrdreg $0x9  }
0xb1: {  	_ =	task.clear_ibuf [dreg:s7], $0x5FFFF;
	_ =	strace $0x90000046  }
0xb2: {  	s29 =	simm.s32 $0x9;
	_ =	strace $0x80000048  }
0xb3: {  	_ =	swait.ge [sflag:s29], $0x1  }
0xb4: {  	[sflag:s29] =	ssyncadd.s32 $0xFFFFFFFF  }
0xb5: {  	_ =	strace $0x90000048  }
0xb6: {  	_ =	sfence  }
0xb7: {  	s30 =	sld [smem:$0x0];
	_ =	sdelay $0x2  }
0xb8: {  	s31 =	sshll.u32 s1, $0xD;
	s1 =	sshrl.u32 s1, $0x2  }
0xb9: {  	s3 =	sand.u32 $0x4000, s31;
	s1 =	sadd.s32 s1, s30  }
0xba: {  	s0 =	sor.u32 s3, s0;
	s1 =	sshll.u32 s1, $0x11  }
0xbb: {  	s0 =	sor.u32 s1, s0  }
0xbc: {  	s0 =	sadd.s32 $0x8F2B, s0  }
0xbd: {  	[sflag:s0] =	ssyncadd.remote.s32 $0x1  }
0xbe: {  	_ =	sfence.sel $0xFFFF  }
0xbf: {  	[dreg:$0x0] =	wrdreg $0xFFFFFFFF;
	(pc) =	sbr.abs _section_cstart, $3  }
0xc0: {  	[dreg:$0x1] =	wrdreg $0xFFFFFFFF  }
0xc1: {  	_ =	task.clear_ibuf [dreg:s7], $0x2FFFF;
	_ =	strace $0x9FFFFFFF  }
0xc2: {  	(tm) =	ssettm $0x7FFFFFFF  }
0xc3: {  	_ =	shalt  }
tec
execute0_lowered:
.L_overlay_start_1:
0x0: {  	(tag) =	ssettag $0x1  }
0x1: {  	s3 =	rddreg [dreg:$0x0]  }
0x2: {  	s6 =	rddreg [dreg:$0x1]  }
0x3: {  	s0 =	rddreg [dreg:$0x2];
	s4 =	srdreg.scid  }
0x4: {  	s1 =	stileid.u32;
	s2 =	simm.s32 $0x0;
	s10 =	simm.s32 $0x2  }
0x5: {  	s11 =	simm.s32 $0x1;
	s12 =	simm.s32 $0x4400;
	s13 =	simm.s32 $0x0  }
0x6: {  	s4 =	sand.u32 $0x1, s4;
	s5 =	sshll.u32 s1, $0x1;
	[smem:$0x7FF] =	sst s2  }
0x7: {  	s5 =	sor.u32 s4, s5;
	_ =	strace $0x80000047;
	s4 =	ssub.s32 $0x2, s4  }
0x8: {  	s7 =	sshll.u32 s5, $0xA;
	s8 =	sshrl.u32 s4, $0x1;
	s9 =	sshll.u32 s5, $0xC  }
0x9: {  	s7 =	sadd.s32 s7, s3;
	s3 =	sadd.s32 $0x10800, s3;
	s8 =	ssub.s32 s4, s8  }
0xa: {  	s6 =	sadd.s32 s6, s9;
	s9 =	simm.s32 $0x4000;
	s4 =	sadd.s32 $0x800, s7  }
0xb: {  	v0 =	vimm.f32 $0.0e+00;
	v1 =	vlaneseq.u32;
	s5 =	sadd.s32 $0x8800, s7;
	s7 =	smax.u32 s8, $0x1;
	s8 =	simm.s32 $0x2000  }
.LBB2_1:
0xc: {  	[tilespmem:s2], [sflag:$0x1] =	stream.linear.gather [hbm4b:s4+s2], $0x2000, $0x38;
	[tilespmem:$0xC400] =	vst v63  }
0xd: {  	_ = 	snop  }
0xe: {  	[tilespmem:s8], [sflag:$0x1] =	stream.linear.gather [hbm4b:s5+s2], $0x2000, $0x38;
	[tilespmem:$0xC400] =	vst v63  }
0xf: {  	_ = 	snop  }
0x10: {  	[tilespmem:s9], [sflag:$0x2] =	stream.linear.gather [hbm4b:s3+s2], $0x400, $0x38;
	[tilespmem:$0xC400] =	vst v63  }
0x11: {  	_ =	swait.ge [sflag:s10], $0x400  }
0x12: {  	[sflag:s10] =	ssyncset.done $0x0  }
0x13: {  	s14 =	simm.s32 $0x4420;
	[sflag:s10] =	ssyncadd.s32 $0xFFFFFC00  }
0x14: {  	[tilespmem:s14+$0xFFFFFFE0] =	vst v0  }
0x15: {  	[tilespmem:s14+$0x10] =	vst v0  }
0x16: {  	s15 =	simm.s32 $0x0;
	[tilespmem:s14+$0x0] =	vst v0  }
.LBB2_2:
0x17: {  	s15 =	sadd.s32 $0x4, s15  }
0x18: {  	[tilespmem:s14+$0xFFFFFFF0] =	vst v0;
	s14 =	sadd.s32 $0x40, s14;
	p0 =	slt.u32 s15, $0x7FC  }
.Ltmp0:
0x19: {  	[tilespmem:s14+$0xFFFFFFE0] =	vst v0;
	(pc) =	sbr.rel @p0 .LBB2_2-.Ltmp0, $3  }
0x1a: {  	_ =	sdelay $0x1  }
0x1b: {  	[tilespmem:s14+$0x10] =	vst v0  }
0x1c: {  	[tilespmem:s14+$0x0] =	vst v0  }
0x1d: {  	[tilespmem:s14+$0xFFFFFFF0] =	vst v0  }
0x1e: {  	_ =	swait.ge [sflag:s11], $0x2000  }
0x1f: {  	[sflag:s11] =	ssyncset.done $0x0  }
0x20: {  	[sflag:s11] =	ssyncadd.s32 $0xFFFFE000  }
0x21: {  	_ =	swait.ge [sflag:s11], $0x2000  }
0x22: {  	[sflag:s11] =	ssyncset.done $0x0  }
0x23: {  	s14 =	simm.s32 $0x0;
	s15 =	simm.s32 $0x0;
	[sflag:s11] =	ssyncadd.s32 $0xFFFFE000  }
0x24: {  	s18 =	simm.s32 $0x0;
	s15 =	sand.u32 $0x1000, s15;
	s17 =	sand.u32 $0xC00, s14;
	v2 =	vld [tilespmem:$0x4000]  }
0x25: {  	s16 =	sand.u32 $0x60, s14;
	s30 =	sand.u32 $0x380, s18;
	s15 =	sor.u32 s17, s15;
	v3 =	vld [tilespmem:$0x4080]  }
0x26: {  	s19 =	sor.u32 $0x10, s16;
	s15 =	sor.u32 s30, s15;
	v4 =	vld [tilespmem:$0x4100]  }
0x27: {  	s20 =	sor.u32 s19, s15;
	v5 =	vld [tilespmem:$0x4180]  }
0x28: {  	v10 =	vld [tilespmem:s20+$0x0]  }
0x29: {  	v6 =	vld [tilespmem:$0x4200]  }
0x2a: {  	v7 =	vld [tilespmem:$0x4280]  }
0x2b: {  	v8 =	vld [tilespmem:$0x4300]  }
0x2c: {  	s17 =	sor.u32 s16, s15;
	s15 =	simm.s32 $0x0;
	v9 =	vld [tilespmem:$0x4380]  }
0x2d: {  	s31 =	sand.u32 $0x180, s15;
	v18 =	vld [tilespmem:s17+$0x0];
	v11 =	vadd.f32 v10, v2  }
0x2e: {  	s19 =	sor.u32 s31, s19;
	v17 =	vadd.f32 v10, v3;
	v19 =	vadd.f32 v10, v4  }
0x2f: {  	v25 =	vor.u32 s19, v1;
	v20 =	vadd.f32 v10, v5;
	v21 =	vadd.f32 v10, v6  }
0x30: {  	v22 =	vadd.f32 v10, v7;
	v23 =	vadd.f32 v10, v8;
	v12 =	vtrunc.f32 v11  }
0x31: {  	v10 =	vadd.f32 v10, v9;
	v15 =	vtrunc.f32 v17;
	v16 =	vtrunc.f32 v19  }
0x32: {  	v57 =	vadd.f32 v18, v8;
	v24 =	vtrunc.f32 v20;
	v26 =	vtrunc.f32 v21  }
0x33: {  	v14 =	vadd.f32 v18, v2;
	v27 =	vtrunc.f32 v22;
	v28 =	vtrunc.f32 v23  }
0x34: {  	v13 =	vadd.f32 v18, v3;
	v29 =	vtrunc.f32 v10;
	v60 =	vtrunc.f32 v57  }
0x35: {  	v52 =	vadd.f32 v18, v7;
	v30 =	vcvt.f32.s32 v12;
	v31 =	vcvt.f32.s32 v15  }
0x36: {  	v12 =	vadd.f32 v18, v4;
	v32 =	vcvt.f32.s32 v16;
	v24 =	vcvt.f32.s32 v24  }
0x37: {  	v15 =	vadd.f32 v18, v5;
	v26 =	vcvt.f32.s32 v26;
	v27 =	vcvt.f32.s32 v27  }
0x38: {  	v16 =	vadd.f32 v18, v6;
	v28 =	vcvt.f32.s32 v28;
	v29 =	vcvt.f32.s32 v29  }
0x39: {  	v18 =	vadd.f32 v18, v9;
	v33 =	vcvt.s32.f32 v30;
	v30 =	vshll.u32 v30, $0x7  }
0x3a: {  	v34 =	vcvt.s32.f32 v31;
	v31 =	vshll.u32 v31, $0x7;
	v35 =	vcvt.s32.f32 v32  }
0x3b: {  	v32 =	vshll.u32 v32, $0x7;
	v36 =	vcvt.s32.f32 v24;
	v24 =	vshll.u32 v24, $0x7  }
0x3c: {  	v37 =	vcvt.s32.f32 v26;
	v26 =	vshll.u32 v26, $0x7;
	v38 =	vcvt.s32.f32 v27  }
0x3d: {  	v27 =	vshll.u32 v27, $0x7;
	v39 =	vcvt.s32.f32 v28;
	v28 =	vshll.u32 v28, $0x7  }
0x3e: {  	v40 =	vcvt.s32.f32 v29;
	v29 =	vshll.u32 v29, $0x7;
	v58 =	vtrunc.f32 v15  }
0x3f: {  	v54 =	vtrunc.f32 v18;
	v41 =	vand.u32 $0xFFFFFE00, v30;
	v42 =	vand.u32 $0xFFFFFE00, v31  }
0x40: {  	v43 =	vand.u32 $0xFFFFFE00, v32;
	v44 =	vand.u32 $0xFFFFFE00, v24;
	v45 =	vand.u32 $0xFFFFFE00, v26  }
0x41: {  	v47 =	vand.u32 $0xFFFFFE00, v27;
	v48 =	vand.u32 $0xFFFFFE00, v28;
	v49 =	vand.u32 $0xFFFFFE00, v29  }
0x42: {  	v30 =	vadd.s32 $0x80, v30;
	v31 =	vadd.s32 $0x80, v31;
	v32 =	vadd.s32 $0x80, v32  }
0x43: {  	v24 =	vadd.s32 $0x80, v24;
	v41 =	vor.u32 v25, v41;
	v42 =	vor.u32 v25, v42  }
0x44: {  	v11 =	vsub.f32 v11, v33;
	v62 =	vor.u32 v25, v43;
	v43 =	vor.u32 v25, v44  }
0x45: {  	v46 =	vld [tilespmem:s20+$0x2000];
	v30 =	vand.u32 $0xFFFFFE00, v30;
	v44 =	vor.u32 v25, v45;
	v45 =	vor.u32 v25, v47  }
0x46: {  	v17 =	vsub.f32 v17, v34;
	v31 =	vand.u32 $0xFFFFFE00, v31;
	v19 =	vsub.f32 v19, v35  }
0x47: {  	v32 =	vand.u32 $0xFFFFFE00, v32;
	v20 =	vsub.f32 v20, v36;
	v35 =	vor.u32 v25, v48  }
0x48: {  	v24 =	vand.u32 $0xFFFFFE00, v24;
	v21 =	vsub.f32 v21, v37;
	v22 =	vsub.f32 v22, v38  }
0x49: {  	v23 =	vsub.f32 v23, v39;
	v10 =	vsub.f32 v10, v40;
	v49 =	vor.u32 v25, v49  }
0x4a: {  	v30 =	vor.u32 v25, v30;
	v31 =	vor.u32 v25, v31;
	v11 =	vmul.f32 v11, v46  }
0x4b: {  	v32 =	vor.u32 v25, v32;
	v17 =	vmul.f32 v17, v46;
	v19 =	vmul.f32 v19, v46  }
0x4c: {  	v47 =	vor.u32 v25, v24;
	v20 =	vmul.f32 v20, v46;
	v21 =	vmul.f32 v21, v46  }
0x4d: {  	v24 =	vadd.s32 $0x80, v26;
	v39 =	vmul.f32 v22, v46;
	v50 =	vmul.f32 v23, v46  }
0x4e: {  	s16 =	sor.u32 s31, s16;
	v24 =	vand.u32 $0xFFFFFE00, v24;
	v23 =	vtrunc.f32 v14;
	v51 =	vmul.f32 v10, v46  }
0x4f: {  	v10 =	vor.u32 s16, v1;
	v37 =	vor.u32 v25, v24;
	v63 =	vsub.f32 v46, v11  }
0x50: {  	v24 =	vadd.s32 $0x80, v27;
	v56 =	vsub.f32 v46, v17;
	v26 =	vsub.f32 v46, v19  }
0x51: {  	v27 =	vsub.f32 v46, v20;
	v24 =	vand.u32 $0xFFFFFE00, v24;
	v40 =	vsub.f32 v46, v39  }
0x52: {  	v59 =	vsub.f32 v46, v50;
	v38 =	vor.u32 v25, v24;
	v24 =	vadd.s32 $0x80, v28  }
0x53: {  	v22 =	vand.u32 $0xFFFFFE00, v24;
	v24 =	vtrunc.f32 v13;
	[tilespmem:v41+s12+$0x0] =	vst.idx.add.f32.msk $0xffff, v63;
	v63 =	vcvt.f32.s32 v54  }
0x54: {  	v48 =	vor.u32 v25, v22;
	v22 =	vadd.s32 $0x80, v29;
	v29 =	vtrunc.f32 v12;
	[tilespmem:v30+s12+$0x0] =	vst.idx.add.f32.msk $0xffff, v11  }
0x55: {  	v30 =	vtrunc.f32 v52;
	v24 =	vcvt.f32.s32 v24;
	v22 =	vand.u32 $0xFFFFFE00, v22;
	[tilespmem:v42+s12+$0x0] =	vst.idx.add.f32.msk $0xffff, v56  }
0x56: {  	v53 =	vor.u32 v25, v22;
	v25 =	vtrunc.f32 v16;
	[tilespmem:v31+s12+$0x0] =	vst.idx.add.f32.msk $0xffff, v17;
	v31 =	vcvt.f32.s32 v23  }
0x57: {  	v28 =	vsub.f32 v46, v21;
	[tilespmem:v62+s12+$0x0] =	vst.idx.add.f32.msk $0xffff, v26;
	v26 =	vcvt.f32.s32 v29;
	v29 =	vcvt.f32.s32 v58  }
0x58: {  	v11 =	vld [tilespmem:s17+$0x2000];
	v17 =	vsub.f32 v46, v51;
	v61 =	vcvt.f32.s32 v25;
	v62 =	vcvt.f32.s32 v30  }
0x59: {  	v23 =	vshll.u32 v24, $0x7;
	[tilespmem:v32+s12+$0x0] =	vst.idx.add.f32.msk $0xffff, v19;
	v19 =	vcvt.f32.s32 v60;
	v25 =	vcvt.s32.f32 v31  }
0x5a: {  	v22 =	vshll.u32 v31, $0x7;
	[tilespmem:v43+s12+$0x0] =	vst.idx.add.f32.msk $0xffff, v27;
	v27 =	vcvt.s32.f32 v24;
	v30 =	vcvt.s32.f32 v62  }
0x5b: {  	v24 =	vshll.u32 v26, $0x7;
	[tilespmem:v47+s12+$0x0] =	vst.idx.add.f32.msk $0xffff, v20;
	v20 =	vcvt.s32.f32 v26;
	v26 =	vcvt.s32.f32 v29  }
0x5c: {  	v29 =	vshll.u32 v29, $0x7;
	v14 =	vsub.f32 v14, v25;
	v25 =	vcvt.s32.f32 v61  }
0x5d: {  	v34 =	vadd.s32 $0x80, v24;
	[tilespmem:v44+s12+$0x0] =	vst.idx.add.f32.msk $0xffff, v28;
	v13 =	vsub.f32 v13, v27;
	v27 =	vcvt.s32.f32 v63  }
0x5e: {  	v33 =	vadd.s32 $0x80, v29;
	[tilespmem:v37+s12+$0x0] =	vst.idx.add.f32.msk $0xffff, v21;
	v21 =	vcvt.s32.f32 v19;
	v12 =	vsub.f32 v12, v20  }
0x5f: {  	v28 =	vmul.f32 v14, v11;
	v14 =	vsub.f32 v15, v26;
	v15 =	vsub.f32 v52, v30  }
0x60: {  	v26 =	vshll.u32 v61, $0x7;
	v20 =	vshll.u32 v62, $0x7;
	v31 =	vmul.f32 v13, v11  }
0x61: {  	v19 =	vshll.u32 v19, $0x7;
	v13 =	vsub.f32 v16, v25;
	v16 =	vsub.f32 v18, v27;
	[tilespmem:v45+s12+$0x0] =	vst.idx.add.f32.msk $0xffff, v40  }
0x62: {  	v18 =	vshll.u32 v63, $0x7;
	v30 =	vmul.f32 v12, v11;
	v12 =	vsub.f32 v57, v21;
	[tilespmem:v38+s12+$0x0] =	vst.idx.add.f32.msk $0xffff, v39  }
0x63: {  	v32 =	vadd.s32 $0x80, v26;
	v25 =	vmul.f32 v14, v11;
	v14 =	vmul.f32 v15, v11;
	[tilespmem:v35+s12+$0x0] =	vst.idx.add.f32.msk $0xffff, v59  }
0x64: {  	v15 =	vadd.s32 $0x80, v22;
	v21 =	vmul.f32 v13, v11;
	v35 =	vadd.s32 $0x80, v23;
	[tilespmem:v48+s12+$0x0] =	vst.idx.add.f32.msk $0xffff, v50  }
0x65: {  	v27 =	vand.u32 $0xFFFFFE00, v15;
	v15 =	vadd.s32 $0x80, v18;
	v13 =	vmul.f32 v12, v11;
	[tilespmem:v49+s12+$0x0] =	vst.idx.add.f32.msk $0xffff, v17  }
0x66: {  	s16 =	simm.s32 $0x0;
	v12 =	vmul.f32 v16, v11;
	v16 =	vadd.s32 $0x80, v19;
	v17 =	vadd.s32 $0x80, v20;
	[tilespmem:v53+s12+$0x0] =	vst.idx.add.f32.msk $0xffff, v51  }
.LBB2_4:
0x67: {  	s15 =	sadd.s32 $0x2, s15;
	v36 =	vsub.f32 v11, v28;
	v35 =	vand.u32 $0xFFFFFE00, v35;
	v37 =	vsub.f32 v11, v31  }
0x68: {  	v34 =	vand.u32 $0xFFFFFE00, v34;
	v38 =	vsub.f32 v11, v30;
	v33 =	vand.u32 $0xFFFFFE00, v33;
	s14 =	sadd.s32 $0x100, s14;
	s16 =	sadd.s32 $0x20, s16;
	s17 =	sshll.u32 s15, $0x4  }
0x69: {  	v39 =	vsub.f32 v11, v25;
	v32 =	vand.u32 $0xFFFFFE00, v32;
	v40 =	vsub.f32 v11, v21;
	s19 =	sand.u32 $0xC00, s14;
	s20 =	sshll.u32 s15, $0x2;
	s18 =	sand.u32 $0x1000, s17  }
0x6a: {  	v41 =	vand.u32 $0xFFFFFE00, v17;
	v17 =	vsub.f32 v11, v14;
	v42 =	vand.u32 $0xFFFFFE00, v16;
	s17 =	sand.u32 $0x60, s16;
	s18 =	sor.u32 s19, s18;
	s19 =	sand.u32 $0x380, s20  }
0x6b: {  	v16 =	vsub.f32 v11, v13;
	v43 =	vand.u32 $0xFFFFFE00, v15;
	v15 =	vsub.f32 v11, v12;
	p0 =	slt.u32 s15, $0x1FE;
	s18 =	sor.u32 s19, s18;
	s19 =	sor.u32 $0x10, s17  }
0x6c: {  	v44 =	vand.u32 $0xFFFFFE00, v22;
	v45 =	vand.u32 $0xFFFFFE00, v23;
	v46 =	vand.u32 $0xFFFFFE00, v24;
	s20 =	sor.u32 s17, s18;
	s18 =	sor.u32 s19, s18  }
0x6d: {  	v48 =	vand.u32 $0xFFFFFE00, v29;
	v26 =	vand.u32 $0xFFFFFE00, v26;
	v24 =	vand.u32 $0xFFFFFE00, v20;
	v47 =	vld [tilespmem:s18+$0x0]  }
0x6e: {  	v49 =	vor.u32 v27, v10;
	v23 =	vand.u32 $0xFFFFFE00, v19;
	v22 =	vand.u32 $0xFFFFFE00, v18;
	v29 =	vld [tilespmem:s20+$0x0]  }
0x6f: {  	v50 =	vor.u32 v35, v10;
	v51 =	vor.u32 v34, v10;
	v52 =	vor.u32 v33, v10;
	v11 =	vld [tilespmem:s20+$0x2000]  }
0x70: {  	v53 =	vor.u32 v32, v10;
	v20 =	vor.u32 v41, v10;
	v19 =	vor.u32 v42, v10  }
0x71: {  	v27 =	vor.u32 v44, v10;
	v32 =	vor.u32 v45, v10;
	v18 =	vor.u32 v43, v10  }
0x72: {  	v43 =	vor.u32 v46, v10;
	v41 =	vadd.f32 v47, v2;
	v42 =	vadd.f32 v47, v3  }
0x73: {  	v46 =	vor.u32 v48, v10;
	v44 =	vadd.f32 v47, v4;
	v45 =	vadd.f32 v47, v5  }
0x74: {  	v54 =	vor.u32 v26, v10;
	v48 =	vadd.f32 v47, v6;
	v35 =	vadd.f32 v47, v7  }
0x75: {  	v34 =	vadd.f32 v47, v8;
	v55 =	vtrunc.f32 v41;
	v56 =	vtrunc.f32 v42  }
0x76: {  	v33 =	vadd.f32 v47, v9;
	v57 =	vtrunc.f32 v44;
	v58 =	vtrunc.f32 v45;
	[tilespmem:v27+s12+$0x0] =	vst.idx.add.f32.msk $0xffff, v36  }
0x77: {  	v47 =	vtrunc.f32 v35;
	v27 =	vadd.f32 v29, v2;
	v36 =	vtrunc.f32 v48;
	[tilespmem:v49+s12+$0x0] =	vst.idx.add.f32.msk $0xffff, v28  }
0x78: {  	v59 =	vtrunc.f32 v33;
	v28 =	vadd.f32 v29, v3;
	v49 =	vtrunc.f32 v34;
	[tilespmem:v32+s12+$0x0] =	vst.idx.add.f32.msk $0xffff, v37  }
0x79: {  	v26 =	vadd.f32 v29, v4;
	v37 =	vcvt.f32.s32 v55;
	v55 =	vcvt.f32.s32 v56;
	[tilespmem:v50+s12+$0x0] =	vst.idx.add.f32.msk $0xffff, v31  }
0x7a: {  	s20 =	sand.u32 $0x180, s15;
	v56 =	vcvt.f32.s32 v58;
	v31 =	vadd.f32 v29, v5;
	v50 =	vcvt.f32.s32 v57;
	[tilespmem:v43+s12+$0x0] =	vst.idx.add.f32.msk $0xffff, v38  }
0x7b: {  	s17 =	sor.u32 s20, s17;
	s19 =	sor.u32 s20, s19;
	v36 =	vcvt.f32.s32 v36;
	v32 =	vadd.f32 v29, v6;
	v38 =	vcvt.f32.s32 v47;
	[tilespmem:v51+s12+$0x0] =	vst.idx.add.f32.msk $0xffff, v30  }
0x7c: {  	v43 =	vcvt.f32.s32 v49;
	v47 =	vcvt.f32.s32 v59;
	v30 =	vor.u32 s19, v1;
	[tilespmem:v46+s12+$0x0] =	vst.idx.add.f32.msk $0xffff, v39  }
0x7d: {  	v39 =	vcvt.s32.f32 v37;
	v37 =	vshll.u32 v37, $0x7;
	v46 =	vcvt.s32.f32 v55;
	[tilespmem:v52+s12+$0x0] =	vst.idx.add.f32.msk $0xffff, v25  }
0x7e: {  	v49 =	vcvt.s32.f32 v50;
	v50 =	vshll.u32 v50, $0x7;
	v25 =	vshll.u32 v55, $0x7;
	[tilespmem:v54+s12+$0x0] =	vst.idx.add.f32.msk $0xffff, v40  }
0x7f: {  	v51 =	vshll.u32 v56, $0x7;
	v52 =	vcvt.s32.f32 v36;
	v40 =	vcvt.s32.f32 v56;
	[tilespmem:v53+s12+$0x0] =	vst.idx.add.f32.msk $0xffff, v21  }
0x80: {  	v21 =	vshll.u32 v36, $0x7;
	v36 =	vcvt.s32.f32 v38;
	v38 =	vshll.u32 v38, $0x7  }
0x81: {  	v54 =	vcvt.s32.f32 v47;
	v53 =	vcvt.s32.f32 v43;
	v43 =	vshll.u32 v43, $0x7  }
0x82: {  	v55 =	vand.u32 $0xFFFFFE00, v37;
	v56 =	vand.u32 $0xFFFFFE00, v25;
	v47 =	vshll.u32 v47, $0x7  }
0x83: {  	v57 =	vand.u32 $0xFFFFFE00, v50;
	v58 =	vand.u32 $0xFFFFFE00, v51;
	v59 =	vand.u32 $0xFFFFFE00, v21  }
0x84: {  	v63 =	vand.u32 $0xFFFFFE00, v47;
	v61 =	vand.u32 $0xFFFFFE00, v38;
	v62 =	vand.u32 $0xFFFFFE00, v43;
	v60 =	vld [tilespmem:s18+$0x2000]  }
0x85: {  	v50 =	vadd.s32 $0x80, v50;
	v37 =	vadd.s32 $0x80, v37;
	v25 =	vadd.s32 $0x80, v25  }
0x86: {  	v51 =	vadd.s32 $0x80, v51;
	v55 =	vor.u32 v30, v55;
	v56 =	vor.u32 v30, v56  }
0x87: {  	v39 =	vsub.f32 v41, v39;
	v41 =	vor.u32 v30, v57;
	v57 =	vor.u32 v30, v58  }
0x88: {  	v37 =	vand.u32 $0xFFFFFE00, v37;
	v58 =	vor.u32 v30, v59;
	v59 =	vor.u32 v30, v61  }
0x89: {  	v42 =	vsub.f32 v42, v46;
	v37 =	vor.u32 v30, v37;
	v39 =	vmul.f32 v39, v60  }
0x8a: {  	v44 =	vsub.f32 v44, v49;
	v46 =	vand.u32 $0xFFFFFE00, v50;
	v25 =	vand.u32 $0xFFFFFE00, v25  }
0x8b: {  	v25 =	vor.u32 v30, v25;
	v42 =	vmul.f32 v42, v60;
	v49 =	vsub.f32 v60, v39  }
0x8c: {  	v46 =	vor.u32 v30, v46;
	v40 =	vsub.f32 v45, v40;
	v45 =	vor.u32 v30, v62  }
0x8d: {  	v50 =	vand.u32 $0xFFFFFE00, v51;
	v44 =	vmul.f32 v44, v60;
	[tilespmem:v55+s12+$0x0] =	vst.idx.add.f32.msk $0xffff, v49;
	v49 =	vsub.f32 v60, v42  }
0x8e: {  	v21 =	vadd.s32 $0x80, v21;
	[tilespmem:v37+s12+$0x0] =	vst.idx.add.f32.msk $0xffff, v39;
	v37 =	vor.u32 v30, v50;
	v39 =	vsub.f32 v48, v52  }
0x8f: {  	v21 =	vand.u32 $0xFFFFFE00, v21;
	v40 =	vmul.f32 v40, v60;
	v48 =	vsub.f32 v60, v44;
	[tilespmem:v56+s12+$0x0] =	vst.idx.add.f32.msk $0xffff, v49  }
0x90: {  	v21 =	vor.u32 v30, v21;
	[tilespmem:v25+s12+$0x0] =	vst.idx.add.f32.msk $0xffff, v42;
	v25 =	vsub.f32 v35, v36;
	v35 =	vadd.s32 $0x80, v38  }
0x91: {  	v36 =	vsub.f32 v60, v40;
	v38 =	vmul.f32 v39, v60;
	[tilespmem:v41+s12+$0x0] =	vst.idx.add.f32.msk $0xffff, v48;
	v35 =	vand.u32 $0xFFFFFE00, v35  }
0x92: {  	v34 =	vsub.f32 v34, v53;
	v39 =	vadd.s32 $0x80, v43;
	[tilespmem:v46+s12+$0x0] =	vst.idx.add.f32.msk $0xffff, v44;
	v35 =	vor.u32 v30, v35  }
0x93: {  	v39 =	vand.u32 $0xFFFFFE00, v39;
	v25 =	vmul.f32 v25, v60;
	[tilespmem:v57+s12+$0x0] =	vst.idx.add.f32.msk $0xffff, v36;
	v36 =	vsub.f32 v60, v38  }
0x94: {  	v33 =	vsub.f32 v33, v54;
	[tilespmem:v37+s12+$0x0] =	vst.idx.add.f32.msk $0xffff, v40;
	v37 =	vor.u32 v30, v39;
	v39 =	vadd.s32 $0x80, v47  }
0x95: {  	v34 =	vmul.f32 v34, v60;
	[tilespmem:v58+s12+$0x0] =	vst.idx.add.f32.msk $0xffff, v36;
	v36 =	vsub.f32 v60, v25;
	v39 =	vand.u32 $0xFFFFFE00, v39  }
0x96: {  	v40 =	vtrunc.f32 v27;
	[tilespmem:v21+s12+$0x0] =	vst.idx.add.f32.msk $0xffff, v38;
	v21 =	vor.u32 v30, v63;
	v30 =	vor.u32 v30, v39  }
0x97: {  	v33 =	vmul.f32 v33, v60;
	v38 =	vtrunc.f32 v28;
	[tilespmem:v59+s12+$0x0] =	vst.idx.add.f32.msk $0xffff, v36;
	v36 =	vsub.f32 v60, v34  }
0x98: {  	v42 =	vadd.f32 v29, v8;
	v41 =	vadd.f32 v29, v7;
	v39 =	vtrunc.f32 v26;
	[tilespmem:v35+s12+$0x0] =	vst.idx.add.f32.msk $0xffff, v25  }
0x99: {  	v25 =	vtrunc.f32 v31;
	v35 =	vadd.f32 v29, v9;
	v29 =	vsub.f32 v60, v33;
	[tilespmem:v45+s12+$0x0] =	vst.idx.add.f32.msk $0xffff, v36  }
0x9a: {  	v43 =	vtrunc.f32 v32;
	v44 =	vtrunc.f32 v41;
	v36 =	vor.u32 s17, v1;
	[tilespmem:v37+s12+$0x0] =	vst.idx.add.f32.msk $0xffff, v34  }
0x9b: {  	v34 =	vtrunc.f32 v42;
	v37 =	vtrunc.f32 v35;
	[tilespmem:v21+s12+$0x0] =	vst.idx.add.f32.msk $0xffff, v29;
	v21 =	vor.u32 v24, v10  }
0x9c: {  	v24 =	vcvt.f32.s32 v40;
	v29 =	vcvt.f32.s32 v38;
	[tilespmem:v30+s12+$0x0] =	vst.idx.add.f32.msk $0xffff, v33;
	v30 =	vor.u32 v23, v10  }
0x9d: {  	v25 =	vcvt.f32.s32 v25;
	v38 =	vor.u32 v22, v10;
	v33 =	vcvt.f32.s32 v39;
	v10 =	vmovc v36  }
0x9e: {  	v36 =	vcvt.f32.s32 v43;
	v39 =	vcvt.f32.s32 v44;
	v22 =	vshll.u32 v24, $0x7  }
0x9f: {  	v34 =	vcvt.f32.s32 v34;
	v37 =	vcvt.f32.s32 v37;
	v23 =	vshll.u32 v29, $0x7  }
0xa0: {  	v40 =	vcvt.s32.f32 v24;
	v43 =	vcvt.s32.f32 v29;
	v24 =	vshll.u32 v33, $0x7;
	[tilespmem:v21+s12+$0x0] =	vst.idx.add.f32.msk $0xffff, v17  }
0xa1: {  	v29 =	vshll.u32 v25, $0x7;
	v17 =	vcvt.s32.f32 v33;
	v21 =	vcvt.s32.f32 v25;
	[tilespmem:v20+s12+$0x0] =	vst.idx.add.f32.msk $0xffff, v14  }
0xa2: {  	v25 =	vcvt.s32.f32 v39;
	v14 =	vsub.f32 v27, v40;
	v20 =	vcvt.s32.f32 v36;
	[tilespmem:v30+s12+$0x0] =	vst.idx.add.f32.msk $0xffff, v16  }
0xa3: {  	v33 =	vcvt.s32.f32 v37;
	v27 =	vcvt.s32.f32 v34;
	v16 =	vsub.f32 v28, v43;
	[tilespmem:v19+s12+$0x0] =	vst.idx.add.f32.msk $0xffff, v13  }
0xa4: {  	v28 =	vmul.f32 v14, v11;
	v13 =	vsub.f32 v26, v17;
	v14 =	vsub.f32 v31, v21  }
0xa5: {  	v17 =	vsub.f32 v41, v25;
	v31 =	vmul.f32 v16, v11;
	v16 =	vsub.f32 v32, v20  }
0xa6: {  	v30 =	vmul.f32 v13, v11;
	v13 =	vsub.f32 v42, v27;
	v27 =	vsub.f32 v35, v33  }
0xa7: {  	v26 =	vshll.u32 v36, $0x7;
	v25 =	vmul.f32 v14, v11;
	v21 =	vmul.f32 v16, v11;
	[tilespmem:v38+s12+$0x0] =	vst.idx.add.f32.msk $0xffff, v15  }
.Ltmp1:
0xa8: {  	v19 =	vshll.u32 v34, $0x7;
	v20 =	vshll.u32 v39, $0x7;
	v14 =	vmul.f32 v17, v11;
	[tilespmem:v18+s12+$0x0] =	vst.idx.add.f32.msk $0xffff, v12;
	(pc) =	sbr.rel @p0 .LBB2_4-.Ltmp1, $4  }
0xa9: {  	v13 =	vmul.f32 v13, v11;
	v18 =	vshll.u32 v37, $0x7;
	v12 =	vmul.f32 v27, v11  }
0xaa: {  	v34 =	vadd.s32 $0x80, v24;
	v35 =	vadd.s32 $0x80, v23;
	v15 =	vadd.s32 $0x80, v22  }
0xab: {  	v32 =	vadd.s32 $0x80, v26;
	v33 =	vadd.s32 $0x80, v29;
	v17 =	vadd.s32 $0x80, v20  }
0xac: {  	v16 =	vadd.s32 $0x80, v19;
	v27 =	vand.u32 $0xFFFFFE00, v15;
	v15 =	vadd.s32 $0x80, v18  }
0xad: {  	v2 =	vand.u32 $0xFFFFFE00, v22  }
0xae: {  	v2 =	vor.u32 v2, v10  }
0xaf: {  	v3 =	vand.u32 $0xFFFFFE00, v23;
	v4 =	vor.u32 v27, v10  }
0xb0: {  	v5 =	vand.u32 $0xFFFFFE00, v35;
	v3 =	vor.u32 v3, v10  }
0xb1: {  	v6 =	vsub.f32 v11, v28;
	v7 =	vand.u32 $0xFFFFFE00, v24;
	v5 =	vor.u32 v5, v10  }
0xb2: {  	v8 =	vand.u32 $0xFFFFFE00, v34;
	v7 =	vor.u32 v7, v10  }
0xb3: {  	v9 =	vsub.f32 v11, v31;
	v48 =	vand.u32 $0xFFFFFE00, v29;
	v8 =	vor.u32 v8, v10;
	[tilespmem:v2+s12+$0x0] =	vst.idx.add.f32.msk $0xffff, v6  }
0xb4: {  	v49 =	vor.u32 v48, v10;
	v2 =	vand.u32 $0xFFFFFE00, v33;
	[tilespmem:v4+s12+$0x0] =	vst.idx.add.f32.msk $0xffff, v28  }
0xb5: {  	v50 =	vsub.f32 v11, v30;
	v51 =	vand.u32 $0xFFFFFE00, v26;
	v2 =	vor.u32 v2, v10;
	[tilespmem:v3+s12+$0x0] =	vst.idx.add.f32.msk $0xffff, v9  }
0xb6: {  	v52 =	vor.u32 v51, v10;
	v3 =	vand.u32 $0xFFFFFE00, v32;
	[tilespmem:v5+s12+$0x0] =	vst.idx.add.f32.msk $0xffff, v31  }
0xb7: {  	v53 =	vsub.f32 v11, v25;
	v20 =	vand.u32 $0xFFFFFE00, v20;
	v3 =	vor.u32 v3, v10;
	[tilespmem:v7+s12+$0x0] =	vst.idx.add.f32.msk $0xffff, v50  }
0xb8: {  	v54 =	vand.u32 $0xFFFFFE00, v17;
	v55 =	vor.u32 v20, v10;
	[tilespmem:v8+s12+$0x0] =	vst.idx.add.f32.msk $0xffff, v30  }
0xb9: {  	v56 =	vsub.f32 v11, v21;
	v57 =	vand.u32 $0xFFFFFE00, v19;
	v4 =	vor.u32 v54, v10;
	[tilespmem:v49+s12+$0x0] =	vst.idx.add.f32.msk $0xffff, v53  }
0xba: {  	v58 =	vand.u32 $0xFFFFFE00, v16;
	[tilespmem:v2+s12+$0x0] =	vst.idx.add.f32.msk $0xffff, v25;
	v2 =	vor.u32 v57, v10  }
0xbb: {  	v59 =	vsub.f32 v11, v14;
	v60 =	vand.u32 $0xFFFFFE00, v18;
	v5 =	vor.u32 v58, v10;
	[tilespmem:v52+s12+$0x0] =	vst.idx.add.f32.msk $0xffff, v56  }
0xbc: {  	v61 =	vand.u32 $0xFFFFFE00, v15;
	[tilespmem:v3+s12+$0x0] =	vst.idx.add.f32.msk $0xffff, v21;
	v3 =	vor.u32 v60, v10  }
0xbd: {  	v62 =	vsub.f32 v11, v13;
	v8 =	vor.u32 v61, v10;
	[tilespmem:v55+s12+$0x0] =	vst.idx.add.f32.msk $0xffff, v59  }
0xbe: {  	[tilespmem:v4+s12+$0x0] =	vst.idx.add.f32.msk $0xffff, v14  }
0xbf: {  	v63 =	vsub.f32 v11, v12;
	[tilespmem:v2+s12+$0x0] =	vst.idx.add.f32.msk $0xffff, v62  }
0xc0: {  	s13 =	sadd.s32 $0x1, s13;
	[tilespmem:v5+s12+$0x0] =	vst.idx.add.f32.msk $0xffff, v13  }
0xc1: {  	p0 =	sne.s32 s13, s7;
	[tilespmem:v3+s12+$0x0] =	vst.idx.add.f32.msk $0xffff, v63  }
.Ltmp2:
0xc2: {  	[tilespmem:v8+s12+$0x0] =	vst.idx.add.f32.msk $0xffff, v12;
	(pc) =	sbr.rel @p0 .LBB2_1-.Ltmp2, $4  }
0xc3: {  	[hbm4b:s6+s2] =	stream.linear.scatter [tilespmem:s12], [sflag:$0x2], $0x8000, $0x38;
	[tilespmem:$0xC400] =	vst v63  }
0xc4: {  	_ =	swait.ge [sflag:s10], $0x8000  }
0xc5: {  	[sflag:s10] =	ssyncset.done $0x0  }
0xc6: {  	[sflag:s10] =	ssyncadd.s32 $0xFFFF8000  }
0xc7: {  	_ =	sfence.sel $0x180000  }
0xc8: {  	[bflag:$0x0] =	sbarrier.arrive $0xFFFF  }
0xc9: {  	p0 =	sne.s32 s1, $0x0;
	_ =	strace $0x90000047  }
0xca: {  	s0 =	sadd.s32 @!p0 $0x100000, s0;
	[bflag:$0x2] =	sbarrier.arrive $0xFFFF  }
0xcb: {  	[sflag:s0] =	ssyncadd.tile.s32 @!p0 $0x1;
	_ =	shalt  }
.Lfunc_end2:
_tile_overlayer_lowered:
.L_overlay_start_2:
0xcc: {  	(tag) =	ssettag $0x2  }
0xcd: {  	s0 =	rddreg [dreg:$0x0];
	s2 =	stileid.u32  }
0xce: {  	s1 =	rddreg [dreg:$0x1];
	p0 =	sne.s32 s2, $0x0  }
0xcf: {  	s3 =	rddreg [dreg:$0x2];
	[bflag:$0x3] =	sbarrier.arrive $0xFFFF;
	s2 =	simm.s32 @!p0 $0x1C02  }
0xd0: {  	[timem:s3], [sflag:s2] =	dma.local @!p0 [hbm:s0], s1  }
0xd1: {  	s0 =	simm.s32 @!p0 $0x2  }
0xd2: {  	_ =	swait.ge @!p0 [sflag:s0], s1  }
0xd3: {  	s1 =	ssub.s32 @!p0 $0x0, s1;
	[sflag:s0] =	ssyncset.done @!p0 $0x0  }
0xd4: {  	[sflag:s0] =	ssyncadd.s32 @!p0 s1  }
0xd5: {  	[bflag:$0x3] =	sbarrier.arrive $0xFFFF  }
0xd6: {  	_ =	shalt  }

</sc_bundles>
